<compile_context>
chip_gen: v7x
topology: tpu7x:2x2x1
jax: 0.10.2.dev20260603
libtpu: 0.0.44.dev20260713+nightly
codegen_flags: <defaults>
</compile_context>

<pallas_src>
import functools

import jax
import jax.numpy as jnp
from jax import lax
from jax.experimental import pallas as pl
from jax.experimental.pallas import tpu as pltpu
from jax.experimental.pallas import tpu_sc as plsc

B = 16384
D = 16
L = 16
NC = 2
NS = 16
NW = NC * NS
BPW = B // NW
CH = 128
NCH = BPW // CH

_mesh = plsc.VectorSubcoreMesh(core_axis_name="c", subcore_axis_name="s")


@functools.partial(
    pl.kernel,
    out_type=jax.ShapeDtypeStruct((B,), jnp.float32),
    mesh=_mesh,
    compiler_params=pltpu.CompilerParams(use_tc_tiling_on_sc=False),
    scratch_types=[
        pltpu.VMEM((NCH, CH), jnp.int32),
        pltpu.VMEM((NCH, CH), jnp.int32),
        pltpu.VMEM((BPW, D), jnp.float32),
        pltpu.VMEM((BPW, D), jnp.float32),
        pltpu.VMEM((BPW,), jnp.float32),
        pltpu.SemaphoreType.DMA,
    ],
)
def _dot_kernel(u_hbm, i_hbm, fu_hbm, fi_hbm, out_hbm,
                uidx, iidx, urows, irows, outv, sem):
    wid = lax.axis_index("s") * NC + lax.axis_index("c")
    base = wid * BPW

    copies = []
    for j in range(NCH):
        pltpu.sync_copy(u_hbm.at[pl.ds(base + j * CH, CH)], uidx.at[j])
        copies.append(pltpu.async_copy(
            fu_hbm.at[uidx.at[j]], urows.at[pl.ds(j * CH, CH)], sem))
    for j in range(NCH):
        pltpu.sync_copy(i_hbm.at[pl.ds(base + j * CH, CH)], iidx.at[j])
        copies.append(pltpu.async_copy(
            fi_hbm.at[iidx.at[j]], irows.at[pl.ds(j * CH, CH)], sem))
    for c in copies:
        c.wait()

    lane = lax.iota(jnp.int32, L)

    def tile(t, carry):
        base_r = t * L
        acc = jnp.zeros((L,), jnp.float32)
        for k in range(L):
            prod = urows[base_r + k, :] * irows[base_r + k, :]
            for st in (1, 2, 4, 8):
                prod = prod + prod.at[lane ^ st].get(
                    mode="promise_in_bounds")
            acc = jnp.where(lane == k, prod, acc)
        outv[pl.ds(base_r, L)] = acc
        return carry

    lax.fori_loop(0, BPW // L, tile, 0)

    pltpu.sync_copy(outv, out_hbm.at[pl.ds(base, BPW)])


def kernel(u, i, feat_u, feat_i):
    return _dot_kernel(u, i, feat_u, feat_i)

# --- scband reference (transcript-rebuilt; emitter-appended) ---
"""Pipeline reference for scband-base-model-80444737454698 (READ-ONLY COPY).

The authoritative reference and input builder live on the scoring server;
editing this copy changes nothing except your own understanding.
"""

import jax, jax.numpy as jnp
import numpy as np

N_USER = 1000000
N_ITEM = 1000000
EMBED_DIM = 16
BATCH = 16384


def setup_inputs(seed: int = 0) -> dict:
    key = jax.random.key(seed)
    k1, k2, k3, k4 = jax.random.split(key, 4)
    u = jax.random.randint(k1, (BATCH,), 0, N_USER, dtype=jnp.int64 if jax.config.jax_enable_x64 else jnp.int32).astype(jnp.int32)
    i = jax.random.randint(k2, (BATCH,), 0, N_ITEM, dtype=jnp.int64 if jax.config.jax_enable_x64 else jnp.int32).astype(jnp.int32)
    feat_u = jax.random.normal(k3, (N_USER, EMBED_DIM), dtype=jnp.float32) * 0.01
    feat_i = jax.random.normal(k4, (N_ITEM, EMBED_DIM), dtype=jnp.float32) * 0.01
    return {"u": u, "i": i, "feat_u": feat_u, "feat_i": feat_i}


def reference(u, i, feat_u, feat_i):
    # F.embedding(u, feat_u) -> gather rows
    u_lookup = jnp.take(feat_u, u, axis=0)
    i_lookup = jnp.take(feat_i, i, axis=0)
    # inner product per example
    r_hat = jnp.sum(jnp.multiply(u_lookup, i_lookup), axis=1)
    return r_hat

if __name__ == "__main__":
    import jax
    _d = setup_inputs()
    print(jax.jit(kernel)(*tuple(_d.values())))

</pallas_src>

<mosaic_0001>
#map = affine_map<(d0, d1) -> (0)>
#map1 = affine_map<(d0, d1) -> (0, 0)>
module attributes {stable_mosaic.version = 14 : i64} {
  func.func @_dot_kernel(%arg0: i32, %arg1: i32, %arg2: memref<16384xi32, #tpu.memory_space<hbm>>, %arg3: memref<16384xi32, #tpu.memory_space<hbm>>, %arg4: memref<1000000x16xf32, #tpu.memory_space<hbm>>, %arg5: memref<1000000x16xf32, #tpu.memory_space<hbm>>, %arg6: memref<16384xf32, #tpu.memory_space<hbm>>, %arg7: memref<4x128xi32, #tpu.memory_space<vmem>>, %arg8: memref<4x128xi32, #tpu.memory_space<vmem>>, %arg9: memref<512x16xf32, #tpu.memory_space<vmem>>, %arg10: memref<512x16xf32, #tpu.memory_space<vmem>>, %arg11: memref<512xf32, #tpu.memory_space<vmem>>, %arg12: memref<!tpu.dma_semaphore, #tpu.memory_space<semaphore_mem>>) attributes {dimension_semantics = [#tpu.dimension_semantics<core_parallel>, #tpu.dimension_semantics<subcore_parallel>], iteration_bounds = array<i64: 2, 16>, scalar_prefetch = 0 : i64, scratch_operands = 6 : i64, tpu.core_type = #tpu.core_type<sc_vector_subcore>, window_params = [{transform_indices = #map}, {transform_indices = #map}, {transform_indices = #map1}, {transform_indices = #map1}, {transform_indices = #map}]} {
    %mul3A = arith.constant 2 : i32
    %mul3A_0 = arith.muli %arg1, %mul3A : i32
    %add3A = arith.addi %mul3A_0, %arg0 : i32
    %mul3A_1 = arith.constant 512 : i32
    %mul3A_2 = arith.muli %add3A, %mul3A_1 : i32
    %add3A_3 = arith.constant 0 : i32
    %add3A_4 = arith.addi %mul3A_2, %add3A_3 : i32
    %run_scoped3A = arith.constant 0 : i32
    "tpu.region"() ({
      %run_scoped3A_189 = tpu.sem_alloc : memref<!tpu.dma_semaphore, #tpu.memory_space<semaphore_mem>>
      %dma_start3A_190 = arith.constant 0 : i32
      %dma_start3A_191 = tpu.memref_slice %arg7[%run_scoped3A, %dma_start3A_190] : memref<4x128xi32, #tpu.memory_space<vmem>> -> memref<1x128xi32, #tpu.memory_space<vmem>>
      %dma_start3A_192 = tpu.memref_squeeze %dma_start3A_191 : memref<1x128xi32, #tpu.memory_space<vmem>> -> memref<128xi32, #tpu.memory_space<vmem>>
      %dma_start3A_193 = tpu.memref_slice %arg2[%add3A_4] : memref<16384xi32, #tpu.memory_space<hbm>> -> memref<128xi32, #tpu.memory_space<hbm>>
      %dma_start3A_194 = arith.constant 0 : i32
      %dma_start3A_195 = tpu.memref_slice %arg7[%run_scoped3A, %dma_start3A_194] : memref<4x128xi32, #tpu.memory_space<vmem>> -> memref<1x128xi32, #tpu.memory_space<vmem>>
      %dma_start3A_196 = tpu.memref_squeeze %dma_start3A_195 : memref<1x128xi32, #tpu.memory_space<vmem>> -> memref<128xi32, #tpu.memory_space<vmem>>
      %dma_start3A_197 = tpu.memref_slice %arg2[%add3A_4] : memref<16384xi32, #tpu.memory_space<hbm>> -> memref<128xi32, #tpu.memory_space<hbm>>
      tpu.enqueue_dma source(%dma_start3A_197 : memref<128xi32, #tpu.memory_space<hbm>>) target(%dma_start3A_196 : memref<128xi32, #tpu.memory_space<vmem>>) target_semaphore(%run_scoped3A_189 : memref<!tpu.dma_semaphore, #tpu.memory_space<semaphore_mem>>)
      %dma_wait3A_198 = arith.constant 0 : i32
      %dma_wait3A_199 = tpu.memref_slice %arg7[%run_scoped3A, %dma_wait3A_198] : memref<4x128xi32, #tpu.memory_space<vmem>> -> memref<1x128xi32, #tpu.memory_space<vmem>>
      %dma_wait3A_200 = tpu.memref_squeeze %dma_wait3A_199 : memref<1x128xi32, #tpu.memory_space<vmem>> -> memref<128xi32, #tpu.memory_space<vmem>>
      %dma_wait3A_201 = tpu.memref_slice %arg2[%add3A_4] : memref<16384xi32, #tpu.memory_space<hbm>> -> memref<128xi32, #tpu.memory_space<hbm>>
      %dma_wait3A_202 = arith.constant 0 : i32
      %dma_wait3A_203 = tpu.memref_slice %arg7[%run_scoped3A, %dma_wait3A_202] : memref<4x128xi32, #tpu.memory_space<vmem>> -> memref<1x128xi32, #tpu.memory_space<vmem>>
      %dma_wait3A_204 = tpu.memref_squeeze %dma_wait3A_203 : memref<1x128xi32, #tpu.memory_space<vmem>> -> memref<128xi32, #tpu.memory_space<vmem>>
      %dma_wait3A_205 = tpu.memref_slice %arg2[%add3A_4] : memref<16384xi32, #tpu.memory_space<hbm>> -> memref<128xi32, #tpu.memory_space<hbm>>
      tpu.wait_dma2 semaphore(%run_scoped3A_189 : memref<!tpu.dma_semaphore, #tpu.memory_space<semaphore_mem>>) src(%dma_wait3A_205 : memref<128xi32, #tpu.memory_space<hbm>>) dst(%dma_wait3A_204 : memref<128xi32, #tpu.memory_space<vmem>>)
      tpu.yield
    }) : () -> ()
    %dma_start3A = arith.constant 0 : i32
    %dma_start3A_5 = arith.constant 0 : i32
    %dma_start3A_6 = arith.constant 0 : i32
    %dma_start3A_7 = tpu.memref_slice %arg9[%dma_start3A_5, %dma_start3A_6] : memref<512x16xf32, #tpu.memory_space<vmem>> -> memref<128x16xf32, #tpu.memory_space<vmem>>
    %dma_start3A_8 = arith.constant 0 : i32
    %dma_start3A_9 = tpu.memref_slice %arg7[%dma_start3A, %dma_start3A_8] : memref<4x128xi32, #tpu.memory_space<vmem>> -> memref<1x128xi32, #tpu.memory_space<vmem>>
    %dma_start3A_10 = tpu.memref_squeeze %dma_start3A_9 : memref<1x128xi32, #tpu.memory_space<vmem>> -> memref<128xi32, #tpu.memory_space<vmem>>
    %dma_start3A_11 = arith.constant 0 : i32
    %dma_start3A_12 = arith.constant 0 : i32
    %dma_start3A_13 = tpu.memref_slice %arg4[%dma_start3A_11, %dma_start3A_12] : memref<1000000x16xf32, #tpu.memory_space<hbm>> -> memref<1000000x16xf32, #tpu.memory_space<hbm>>
    tpu.enqueue_indirect_dma source(%dma_start3A_13 : memref<1000000x16xf32, #tpu.memory_space<hbm>>) target(%dma_start3A_7 : memref<128x16xf32, #tpu.memory_space<vmem>>) offsets(%dma_start3A_10 : memref<128xi32, #tpu.memory_space<vmem>>) semaphore(%arg12 : memref<!tpu.dma_semaphore, #tpu.memory_space<semaphore_mem>>)
    %add3A_14 = arith.constant 128 : i32
    %add3A_15 = arith.addi %mul3A_2, %add3A_14 : i32
    %run_scoped3A_16 = arith.constant 1 : i32
    "tpu.region"() ({
      %run_scoped3A_189 = tpu.sem_alloc : memref<!tpu.dma_semaphore, #tpu.memory_space<semaphore_mem>>
      %dma_start3A_190 = arith.constant 0 : i32
      %dma_start3A_191 = tpu.memref_slice %arg7[%run_scoped3A_16, %dma_start3A_190] : memref<4x128xi32, #tpu.memory_space<vmem>> -> memref<1x128xi32, #tpu.memory_space<vmem>>
      %dma_start3A_192 = tpu.memref_squeeze %dma_start3A_191 : memref<1x128xi32, #tpu.memory_space<vmem>> -> memref<128xi32, #tpu.memory_space<vmem>>
      %dma_start3A_193 = tpu.memref_slice %arg2[%add3A_15] : memref<16384xi32, #tpu.memory_space<hbm>> -> memref<128xi32, #tpu.memory_space<hbm>>
      %dma_start3A_194 = arith.constant 0 : i32
      %dma_start3A_195 = tpu.memref_slice %arg7[%run_scoped3A_16, %dma_start3A_194] : memref<4x128xi32, #tpu.memory_space<vmem>> -> memref<1x128xi32, #tpu.memory_space<vmem>>
      %dma_start3A_196 = tpu.memref_squeeze %dma_start3A_195 : memref<1x128xi32, #tpu.memory_space<vmem>> -> memref<128xi32, #tpu.memory_space<vmem>>
      %dma_start3A_197 = tpu.memref_slice %arg2[%add3A_15] : memref<16384xi32, #tpu.memory_space<hbm>> -> memref<128xi32, #tpu.memory_space<hbm>>
      tpu.enqueue_dma source(%dma_start3A_197 : memref<128xi32, #tpu.memory_space<hbm>>) target(%dma_start3A_196 : memref<128xi32, #tpu.memory_space<vmem>>) target_semaphore(%run_scoped3A_189 : memref<!tpu.dma_semaphore, #tpu.memory_space<semaphore_mem>>)
      %dma_wait3A_198 = arith.constant 0 : i32
      %dma_wait3A_199 = tpu.memref_slice %arg7[%run_scoped3A_16, %dma_wait3A_198] : memref<4x128xi32, #tpu.memory_space<vmem>> -> memref<1x128xi32, #tpu.memory_space<vmem>>
      %dma_wait3A_200 = tpu.memref_squeeze %dma_wait3A_199 : memref<1x128xi32, #tpu.memory_space<vmem>> -> memref<128xi32, #tpu.memory_space<vmem>>
      %dma_wait3A_201 = tpu.memref_slice %arg2[%add3A_15] : memref<16384xi32, #tpu.memory_space<hbm>> -> memref<128xi32, #tpu.memory_space<hbm>>
      %dma_wait3A_202 = arith.constant 0 : i32
      %dma_wait3A_203 = tpu.memref_slice %arg7[%run_scoped3A_16, %dma_wait3A_202] : memref<4x128xi32, #tpu.memory_space<vmem>> -> memref<1x128xi32, #tpu.memory_space<vmem>>
      %dma_wait3A_204 = tpu.memref_squeeze %dma_wait3A_203 : memref<1x128xi32, #tpu.memory_space<vmem>> -> memref<128xi32, #tpu.memory_space<vmem>>
      %dma_wait3A_205 = tpu.memref_slice %arg2[%add3A_15] : memref<16384xi32, #tpu.memory_space<hbm>> -> memref<128xi32, #tpu.memory_space<hbm>>
      tpu.wait_dma2 semaphore(%run_scoped3A_189 : memref<!tpu.dma_semaphore, #tpu.memory_space<semaphore_mem>>) src(%dma_wait3A_205 : memref<128xi32, #tpu.memory_space<hbm>>) dst(%dma_wait3A_204 : memref<128xi32, #tpu.memory_space<vmem>>)
      tpu.yield
    }) : () -> ()
    %dma_start3A_17 = arith.constant 1 : i32
    %dma_start3A_18 = arith.constant 128 : i32
    %dma_start3A_19 = arith.constant 0 : i32
    %dma_start3A_20 = tpu.memref_slice %arg9[%dma_start3A_18, %dma_start3A_19] : memref<512x16xf32, #tpu.memory_space<vmem>> -> memref<128x16xf32, #tpu.memory_space<vmem>>
    %dma_start3A_21 = arith.constant 0 : i32
    %dma_start3A_22 = tpu.memref_slice %arg7[%dma_start3A_17, %dma_start3A_21] : memref<4x128xi32, #tpu.memory_space<vmem>> -> memref<1x128xi32, #tpu.memory_space<vmem>>
    %dma_start3A_23 = tpu.memref_squeeze %dma_start3A_22 : memref<1x128xi32, #tpu.memory_space<vmem>> -> memref<128xi32, #tpu.memory_space<vmem>>
    %dma_start3A_24 = arith.constant 0 : i32
    %dma_start3A_25 = arith.constant 0 : i32
    %dma_start3A_26 = tpu.memref_slice %arg4[%dma_start3A_24, %dma_start3A_25] : memref<1000000x16xf32, #tpu.memory_space<hbm>> -> memref<1000000x16xf32, #tpu.memory_space<hbm>>
    tpu.enqueue_indirect_dma source(%dma_start3A_26 : memref<1000000x16xf32, #tpu.memory_space<hbm>>) target(%dma_start3A_20 : memref<128x16xf32, #tpu.memory_space<vmem>>) offsets(%dma_start3A_23 : memref<128xi32, #tpu.memory_space<vmem>>) semaphore(%arg12 : memref<!tpu.dma_semaphore, #tpu.memory_space<semaphore_mem>>)
    %add3A_27 = arith.constant 256 : i32
    %add3A_28 = arith.addi %mul3A_2, %add3A_27 : i32
    %run_scoped3A_29 = arith.constant 2 : i32
    "tpu.region"() ({
      %run_scoped3A_189 = tpu.sem_alloc : memref<!tpu.dma_semaphore, #tpu.memory_space<semaphore_mem>>
      %dma_start3A_190 = arith.constant 0 : i32
      %dma_start3A_191 = tpu.memref_slice %arg7[%run_scoped3A_29, %dma_start3A_190] : memref<4x128xi32, #tpu.memory_space<vmem>> -> memref<1x128xi32, #tpu.memory_space<vmem>>
      %dma_start3A_192 = tpu.memref_squeeze %dma_start3A_191 : memref<1x128xi32, #tpu.memory_space<vmem>> -> memref<128xi32, #tpu.memory_space<vmem>>
      %dma_start3A_193 = tpu.memref_slice %arg2[%add3A_28] : memref<16384xi32, #tpu.memory_space<hbm>> -> memref<128xi32, #tpu.memory_space<hbm>>
      %dma_start3A_194 = arith.constant 0 : i32
      %dma_start3A_195 = tpu.memref_slice %arg7[%run_scoped3A_29, %dma_start3A_194] : memref<4x128xi32, #tpu.memory_space<vmem>> -> memref<1x128xi32, #tpu.memory_space<vmem>>
      %dma_start3A_196 = tpu.memref_squeeze %dma_start3A_195 : memref<1x128xi32, #tpu.memory_space<vmem>> -> memref<128xi32, #tpu.memory_space<vmem>>
      %dma_start3A_197 = tpu.memref_slice %arg2[%add3A_28] : memref<16384xi32, #tpu.memory_space<hbm>> -> memref<128xi32, #tpu.memory_space<hbm>>
      tpu.enqueue_dma source(%dma_start3A_197 : memref<128xi32, #tpu.memory_space<hbm>>) target(%dma_start3A_196 : memref<128xi32, #tpu.memory_space<vmem>>) target_semaphore(%run_scoped3A_189 : memref<!tpu.dma_semaphore, #tpu.memory_space<semaphore_mem>>)
      %dma_wait3A_198 = arith.constant 0 : i32
      %dma_wait3A_199 = tpu.memref_slice %arg7[%run_scoped3A_29, %dma_wait3A_198] : memref<4x128xi32, #tpu.memory_space<vmem>> -> memref<1x128xi32, #tpu.memory_space<vmem>>
      %dma_wait3A_200 = tpu.memref_squeeze %dma_wait3A_199 : memref<1x128xi32, #tpu.memory_space<vmem>> -> memref<128xi32, #tpu.memory_space<vmem>>
      %dma_wait3A_201 = tpu.memref_slice %arg2[%add3A_28] : memref<16384xi32, #tpu.memory_space<hbm>> -> memref<128xi32, #tpu.memory_space<hbm>>
      %dma_wait3A_202 = arith.constant 0 : i32
      %dma_wait3A_203 = tpu.memref_slice %arg7[%run_scoped3A_29, %dma_wait3A_202] : memref<4x128xi32, #tpu.memory_space<vmem>> -> memref<1x128xi32, #tpu.memory_space<vmem>>
      %dma_wait3A_204 = tpu.memref_squeeze %dma_wait3A_203 : memref<1x128xi32, #tpu.memory_space<vmem>> -> memref<128xi32, #tpu.memory_space<vmem>>
      %dma_wait3A_205 = tpu.memref_slice %arg2[%add3A_28] : memref<16384xi32, #tpu.memory_space<hbm>> -> memref<128xi32, #tpu.memory_space<hbm>>
      tpu.wait_dma2 semaphore(%run_scoped3A_189 : memref<!tpu.dma_semaphore, #tpu.memory_space<semaphore_mem>>) src(%dma_wait3A_205 : memref<128xi32, #tpu.memory_space<hbm>>) dst(%dma_wait3A_204 : memref<128xi32, #tpu.memory_space<vmem>>)
      tpu.yield
    }) : () -> ()
    %dma_start3A_30 = arith.constant 2 : i32
    %dma_start3A_31 = arith.constant 256 : i32
    %dma_start3A_32 = arith.constant 0 : i32
    %dma_start3A_33 = tpu.memref_slice %arg9[%dma_start3A_31, %dma_start3A_32] : memref<512x16xf32, #tpu.memory_space<vmem>> -> memref<128x16xf32, #tpu.memory_space<vmem>>
    %dma_start3A_34 = arith.constant 0 : i32
    %dma_start3A_35 = tpu.memref_slice %arg7[%dma_start3A_30, %dma_start3A_34] : memref<4x128xi32, #tpu.memory_space<vmem>> -> memref<1x128xi32, #tpu.memory_space<vmem>>
    %dma_start3A_36 = tpu.memref_squeeze %dma_start3A_35 : memref<1x128xi32, #tpu.memory_space<vmem>> -> memref<128xi32, #tpu.memory_space<vmem>>
    %dma_start3A_37 = arith.constant 0 : i32
    %dma_start3A_38 = arith.constant 0 : i32
    %dma_start3A_39 = tpu.memref_slice %arg4[%dma_start3A_37, %dma_start3A_38] : memref<1000000x16xf32, #tpu.memory_space<hbm>> -> memref<1000000x16xf32, #tpu.memory_space<hbm>>
    tpu.enqueue_indirect_dma source(%dma_start3A_39 : memref<1000000x16xf32, #tpu.memory_space<hbm>>) target(%dma_start3A_33 : memref<128x16xf32, #tpu.memory_space<vmem>>) offsets(%dma_start3A_36 : memref<128xi32, #tpu.memory_space<vmem>>) semaphore(%arg12 : memref<!tpu.dma_semaphore, #tpu.memory_space<semaphore_mem>>)
    %add3A_40 = arith.constant 384 : i32
    %add3A_41 = arith.addi %mul3A_2, %add3A_40 : i32
    %run_scoped3A_42 = arith.constant 3 : i32
    "tpu.region"() ({
      %run_scoped3A_189 = tpu.sem_alloc : memref<!tpu.dma_semaphore, #tpu.memory_space<semaphore_mem>>
      %dma_start3A_190 = arith.constant 0 : i32
      %dma_start3A_191 = tpu.memref_slice %arg7[%run_scoped3A_42, %dma_start3A_190] : memref<4x128xi32, #tpu.memory_space<vmem>> -> memref<1x128xi32, #tpu.memory_space<vmem>>
      %dma_start3A_192 = tpu.memref_squeeze %dma_start3A_191 : memref<1x128xi32, #tpu.memory_space<vmem>> -> memref<128xi32, #tpu.memory_space<vmem>>
      %dma_start3A_193 = tpu.memref_slice %arg2[%add3A_41] : memref<16384xi32, #tpu.memory_space<hbm>> -> memref<128xi32, #tpu.memory_space<hbm>>
      %dma_start3A_194 = arith.constant 0 : i32
      %dma_start3A_195 = tpu.memref_slice %arg7[%run_scoped3A_42, %dma_start3A_194] : memref<4x128xi32, #tpu.memory_space<vmem>> -> memref<1x128xi32, #tpu.memory_space<vmem>>
      %dma_start3A_196 = tpu.memref_squeeze %dma_start3A_195 : memref<1x128xi32, #tpu.memory_space<vmem>> -> memref<128xi32, #tpu.memory_space<vmem>>
      %dma_start3A_197 = tpu.memref_slice %arg2[%add3A_41] : memref<16384xi32, #tpu.memory_space<hbm>> -> memref<128xi32, #tpu.memory_space<hbm>>
      tpu.enqueue_dma source(%dma_start3A_197 : memref<128xi32, #tpu.memory_space<hbm>>) target(%dma_start3A_196 : memref<128xi32, #tpu.memory_space<vmem>>) target_semaphore(%run_scoped3A_189 : memref<!tpu.dma_semaphore, #tpu.memory_space<semaphore_mem>>)
      %dma_wait3A_198 = arith.constant 0 : i32
      %dma_wait3A_199 = tpu.memref_slice %arg7[%run_scoped3A_42, %dma_wait3A_198] : memref<4x128xi32, #tpu.memory_space<vmem>> -> memref<1x128xi32, #tpu.memory_space<vmem>>
      %dma_wait3A_200 = tpu.memref_squeeze %dma_wait3A_199 : memref<1x128xi32, #tpu.memory_space<vmem>> -> memref<128xi32, #tpu.memory_space<vmem>>
      %dma_wait3A_201 = tpu.memref_slice %arg2[%add3A_41] : memref<16384xi32, #tpu.memory_space<hbm>> -> memref<128xi32, #tpu.memory_space<hbm>>
      %dma_wait3A_202 = arith.constant 0 : i32
      %dma_wait3A_203 = tpu.memref_slice %arg7[%run_scoped3A_42, %dma_wait3A_202] : memref<4x128xi32, #tpu.memory_space<vmem>> -> memref<1x128xi32, #tpu.memory_space<vmem>>
      %dma_wait3A_204 = tpu.memref_squeeze %dma_wait3A_203 : memref<1x128xi32, #tpu.memory_space<vmem>> -> memref<128xi32, #tpu.memory_space<vmem>>
      %dma_wait3A_205 = tpu.memref_slice %arg2[%add3A_41] : memref<16384xi32, #tpu.memory_space<hbm>> -> memref<128xi32, #tpu.memory_space<hbm>>
      tpu.wait_dma2 semaphore(%run_scoped3A_189 : memref<!tpu.dma_semaphore, #tpu.memory_space<semaphore_mem>>) src(%dma_wait3A_205 : memref<128xi32, #tpu.memory_space<hbm>>) dst(%dma_wait3A_204 : memref<128xi32, #tpu.memory_space<vmem>>)
      tpu.yield
    }) : () -> ()
    %dma_start3A_43 = arith.constant 3 : i32
    %dma_start3A_44 = arith.constant 384 : i32
    %dma_start3A_45 = arith.constant 0 : i32
    %dma_start3A_46 = tpu.memref_slice %arg9[%dma_start3A_44, %dma_start3A_45] : memref<512x16xf32, #tpu.memory_space<vmem>> -> memref<128x16xf32, #tpu.memory_space<vmem>>
    %dma_start3A_47 = arith.constant 0 : i32
    %dma_start3A_48 = tpu.memref_slice %arg7[%dma_start3A_43, %dma_start3A_47] : memref<4x128xi32, #tpu.memory_space<vmem>> -> memref<1x128xi32, #tpu.memory_space<vmem>>
    %dma_start3A_49 = tpu.memref_squeeze %dma_start3A_48 : memref<1x128xi32, #tpu.memory_space<vmem>> -> memref<128xi32, #tpu.memory_space<vmem>>
    %dma_start3A_50 = arith.constant 0 : i32
    %dma_start3A_51 = arith.constant 0 : i32
    %dma_start3A_52 = tpu.memref_slice %arg4[%dma_start3A_50, %dma_start3A_51] : memref<1000000x16xf32, #tpu.memory_space<hbm>> -> memref<1000000x16xf32, #tpu.memory_space<hbm>>
    tpu.enqueue_indirect_dma source(%dma_start3A_52 : memref<1000000x16xf32, #tpu.memory_space<hbm>>) target(%dma_start3A_46 : memref<128x16xf32, #tpu.memory_space<vmem>>) offsets(%dma_start3A_49 : memref<128xi32, #tpu.memory_space<vmem>>) semaphore(%arg12 : memref<!tpu.dma_semaphore, #tpu.memory_space<semaphore_mem>>)
    %add3A_53 = arith.constant 0 : i32
    %add3A_54 = arith.addi %mul3A_2, %add3A_53 : i32
    %run_scoped3A_55 = arith.constant 0 : i32
    "tpu.region"() ({
      %run_scoped3A_189 = tpu.sem_alloc : memref<!tpu.dma_semaphore, #tpu.memory_space<semaphore_mem>>
      %dma_start3A_190 = arith.constant 0 : i32
      %dma_start3A_191 = tpu.memref_slice %arg8[%run_scoped3A_55, %dma_start3A_190] : memref<4x128xi32, #tpu.memory_space<vmem>> -> memref<1x128xi32, #tpu.memory_space<vmem>>
      %dma_start3A_192 = tpu.memref_squeeze %dma_start3A_191 : memref<1x128xi32, #tpu.memory_space<vmem>> -> memref<128xi32, #tpu.memory_space<vmem>>
      %dma_start3A_193 = tpu.memref_slice %arg3[%add3A_54] : memref<16384xi32, #tpu.memory_space<hbm>> -> memref<128xi32, #tpu.memory_space<hbm>>
      %dma_start3A_194 = arith.constant 0 : i32
      %dma_start3A_195 = tpu.memref_slice %arg8[%run_scoped3A_55, %dma_start3A_194] : memref<4x128xi32, #tpu.memory_space<vmem>> -> memref<1x128xi32, #tpu.memory_space<vmem>>
      %dma_start3A_196 = tpu.memref_squeeze %dma_start3A_195 : memref<1x128xi32, #tpu.memory_space<vmem>> -> memref<128xi32, #tpu.memory_space<vmem>>
      %dma_start3A_197 = tpu.memref_slice %arg3[%add3A_54] : memref<16384xi32, #tpu.memory_space<hbm>> -> memref<128xi32, #tpu.memory_space<hbm>>
      tpu.enqueue_dma source(%dma_start3A_197 : memref<128xi32, #tpu.memory_space<hbm>>) target(%dma_start3A_196 : memref<128xi32, #tpu.memory_space<vmem>>) target_semaphore(%run_scoped3A_189 : memref<!tpu.dma_semaphore, #tpu.memory_space<semaphore_mem>>)
      %dma_wait3A_198 = arith.constant 0 : i32
      %dma_wait3A_199 = tpu.memref_slice %arg8[%run_scoped3A_55, %dma_wait3A_198] : memref<4x128xi32, #tpu.memory_space<vmem>> -> memref<1x128xi32, #tpu.memory_space<vmem>>
      %dma_wait3A_200 = tpu.memref_squeeze %dma_wait3A_199 : memref<1x128xi32, #tpu.memory_space<vmem>> -> memref<128xi32, #tpu.memory_space<vmem>>
      %dma_wait3A_201 = tpu.memref_slice %arg3[%add3A_54] : memref<16384xi32, #tpu.memory_space<hbm>> -> memref<128xi32, #tpu.memory_space<hbm>>
      %dma_wait3A_202 = arith.constant 0 : i32
      %dma_wait3A_203 = tpu.memref_slice %arg8[%run_scoped3A_55, %dma_wait3A_202] : memref<4x128xi32, #tpu.memory_space<vmem>> -> memref<1x128xi32, #tpu.memory_space<vmem>>
      %dma_wait3A_204 = tpu.memref_squeeze %dma_wait3A_203 : memref<1x128xi32, #tpu.memory_space<vmem>> -> memref<128xi32, #tpu.memory_space<vmem>>
      %dma_wait3A_205 = tpu.memref_slice %arg3[%add3A_54] : memref<16384xi32, #tpu.memory_space<hbm>> -> memref<128xi32, #tpu.memory_space<hbm>>
      tpu.wait_dma2 semaphore(%run_scoped3A_189 : memref<!tpu.dma_semaphore, #tpu.memory_space<semaphore_mem>>) src(%dma_wait3A_205 : memref<128xi32, #tpu.memory_space<hbm>>) dst(%dma_wait3A_204 : memref<128xi32, #tpu.memory_space<vmem>>)
      tpu.yield
    }) : () -> ()
    %dma_start3A_56 = arith.constant 0 : i32
    %dma_start3A_57 = arith.constant 0 : i32
    %dma_start3A_58 = arith.constant 0 : i32
    %dma_start3A_59 = tpu.memref_slice %arg10[%dma_start3A_57, %dma_start3A_58] : memref<512x16xf32, #tpu.memory_space<vmem>> -> memref<128x16xf32, #tpu.memory_space<vmem>>
    %dma_start3A_60 = arith.constant 0 : i32
    %dma_start3A_61 = tpu.memref_slice %arg8[%dma_start3A_56, %dma_start3A_60] : memref<4x128xi32, #tpu.memory_space<vmem>> -> memref<1x128xi32, #tpu.memory_space<vmem>>
    %dma_start3A_62 = tpu.memref_squeeze %dma_start3A_61 : memref<1x128xi32, #tpu.memory_space<vmem>> -> memref<128xi32, #tpu.memory_space<vmem>>
    %dma_start3A_63 = arith.constant 0 : i32
    %dma_start3A_64 = arith.constant 0 : i32
    %dma_start3A_65 = tpu.memref_slice %arg5[%dma_start3A_63, %dma_start3A_64] : memref<1000000x16xf32, #tpu.memory_space<hbm>> -> memref<1000000x16xf32, #tpu.memory_space<hbm>>
    tpu.enqueue_indirect_dma source(%dma_start3A_65 : memref<1000000x16xf32, #tpu.memory_space<hbm>>) target(%dma_start3A_59 : memref<128x16xf32, #tpu.memory_space<vmem>>) offsets(%dma_start3A_62 : memref<128xi32, #tpu.memory_space<vmem>>) semaphore(%arg12 : memref<!tpu.dma_semaphore, #tpu.memory_space<semaphore_mem>>)
    %add3A_66 = arith.constant 128 : i32
    %add3A_67 = arith.addi %mul3A_2, %add3A_66 : i32
    %run_scoped3A_68 = arith.constant 1 : i32
    "tpu.region"() ({
      %run_scoped3A_189 = tpu.sem_alloc : memref<!tpu.dma_semaphore, #tpu.memory_space<semaphore_mem>>
      %dma_start3A_190 = arith.constant 0 : i32
      %dma_start3A_191 = tpu.memref_slice %arg8[%run_scoped3A_68, %dma_start3A_190] : memref<4x128xi32, #tpu.memory_space<vmem>> -> memref<1x128xi32, #tpu.memory_space<vmem>>
      %dma_start3A_192 = tpu.memref_squeeze %dma_start3A_191 : memref<1x128xi32, #tpu.memory_space<vmem>> -> memref<128xi32, #tpu.memory_space<vmem>>
      %dma_start3A_193 = tpu.memref_slice %arg3[%add3A_67] : memref<16384xi32, #tpu.memory_space<hbm>> -> memref<128xi32, #tpu.memory_space<hbm>>
      %dma_start3A_194 = arith.constant 0 : i32
      %dma_start3A_195 = tpu.memref_slice %arg8[%run_scoped3A_68, %dma_start3A_194] : memref<4x128xi32, #tpu.memory_space<vmem>> -> memref<1x128xi32, #tpu.memory_space<vmem>>
      %dma_start3A_196 = tpu.memref_squeeze %dma_start3A_195 : memref<1x128xi32, #tpu.memory_space<vmem>> -> memref<128xi32, #tpu.memory_space<vmem>>
      %dma_start3A_197 = tpu.memref_slice %arg3[%add3A_67] : memref<16384xi32, #tpu.memory_space<hbm>> -> memref<128xi32, #tpu.memory_space<hbm>>
      tpu.enqueue_dma source(%dma_start3A_197 : memref<128xi32, #tpu.memory_space<hbm>>) target(%dma_start3A_196 : memref<128xi32, #tpu.memory_space<vmem>>) target_semaphore(%run_scoped3A_189 : memref<!tpu.dma_semaphore, #tpu.memory_space<semaphore_mem>>)
      %dma_wait3A_198 = arith.constant 0 : i32
      %dma_wait3A_199 = tpu.memref_slice %arg8[%run_scoped3A_68, %dma_wait3A_198] : memref<4x128xi32, #tpu.memory_space<vmem>> -> memref<1x128xi32, #tpu.memory_space<vmem>>
      %dma_wait3A_200 = tpu.memref_squeeze %dma_wait3A_199 : memref<1x128xi32, #tpu.memory_space<vmem>> -> memref<128xi32, #tpu.memory_space<vmem>>
      %dma_wait3A_201 = tpu.memref_slice %arg3[%add3A_67] : memref<16384xi32, #tpu.memory_space<hbm>> -> memref<128xi32, #tpu.memory_space<hbm>>
      %dma_wait3A_202 = arith.constant 0 : i32
      %dma_wait3A_203 = tpu.memref_slice %arg8[%run_scoped3A_68, %dma_wait3A_202] : memref<4x128xi32, #tpu.memory_space<vmem>> -> memref<1x128xi32, #tpu.memory_space<vmem>>
      %dma_wait3A_204 = tpu.memref_squeeze %dma_wait3A_203 : memref<1x128xi32, #tpu.memory_space<vmem>> -> memref<128xi32, #tpu.memory_space<vmem>>
      %dma_wait3A_205 = tpu.memref_slice %arg3[%add3A_67] : memref<16384xi32, #tpu.memory_space<hbm>> -> memref<128xi32, #tpu.memory_space<hbm>>
      tpu.wait_dma2 semaphore(%run_scoped3A_189 : memref<!tpu.dma_semaphore, #tpu.memory_space<semaphore_mem>>) src(%dma_wait3A_205 : memref<128xi32, #tpu.memory_space<hbm>>) dst(%dma_wait3A_204 : memref<128xi32, #tpu.memory_space<vmem>>)
      tpu.yield
    }) : () -> ()
    %dma_start3A_69 = arith.constant 1 : i32
    %dma_start3A_70 = arith.constant 128 : i32
    %dma_start3A_71 = arith.constant 0 : i32
    %dma_start3A_72 = tpu.memref_slice %arg10[%dma_start3A_70, %dma_start3A_71] : memref<512x16xf32, #tpu.memory_space<vmem>> -> memref<128x16xf32, #tpu.memory_space<vmem>>
    %dma_start3A_73 = arith.constant 0 : i32
    %dma_start3A_74 = tpu.memref_slice %arg8[%dma_start3A_69, %dma_start3A_73] : memref<4x128xi32, #tpu.memory_space<vmem>> -> memref<1x128xi32, #tpu.memory_space<vmem>>
    %dma_start3A_75 = tpu.memref_squeeze %dma_start3A_74 : memref<1x128xi32, #tpu.memory_space<vmem>> -> memref<128xi32, #tpu.memory_space<vmem>>
    %dma_start3A_76 = arith.constant 0 : i32
    %dma_start3A_77 = arith.constant 0 : i32
    %dma_start3A_78 = tpu.memref_slice %arg5[%dma_start3A_76, %dma_start3A_77] : memref<1000000x16xf32, #tpu.memory_space<hbm>> -> memref<1000000x16xf32, #tpu.memory_space<hbm>>
    tpu.enqueue_indirect_dma source(%dma_start3A_78 : memref<1000000x16xf32, #tpu.memory_space<hbm>>) target(%dma_start3A_72 : memref<128x16xf32, #tpu.memory_space<vmem>>) offsets(%dma_start3A_75 : memref<128xi32, #tpu.memory_space<vmem>>) semaphore(%arg12 : memref<!tpu.dma_semaphore, #tpu.memory_space<semaphore_mem>>)
    %add3A_79 = arith.constant 256 : i32
    %add3A_80 = arith.addi %mul3A_2, %add3A_79 : i32
    %run_scoped3A_81 = arith.constant 2 : i32
    "tpu.region"() ({
      %run_scoped3A_189 = tpu.sem_alloc : memref<!tpu.dma_semaphore, #tpu.memory_space<semaphore_mem>>
      %dma_start3A_190 = arith.constant 0 : i32
      %dma_start3A_191 = tpu.memref_slice %arg8[%run_scoped3A_81, %dma_start3A_190] : memref<4x128xi32, #tpu.memory_space<vmem>> -> memref<1x128xi32, #tpu.memory_space<vmem>>
      %dma_start3A_192 = tpu.memref_squeeze %dma_start3A_191 : memref<1x128xi32, #tpu.memory_space<vmem>> -> memref<128xi32, #tpu.memory_space<vmem>>
      %dma_start3A_193 = tpu.memref_slice %arg3[%add3A_80] : memref<16384xi32, #tpu.memory_space<hbm>> -> memref<128xi32, #tpu.memory_space<hbm>>
      %dma_start3A_194 = arith.constant 0 : i32
      %dma_start3A_195 = tpu.memref_slice %arg8[%run_scoped3A_81, %dma_start3A_194] : memref<4x128xi32, #tpu.memory_space<vmem>> -> memref<1x128xi32, #tpu.memory_space<vmem>>
      %dma_start3A_196 = tpu.memref_squeeze %dma_start3A_195 : memref<1x128xi32, #tpu.memory_space<vmem>> -> memref<128xi32, #tpu.memory_space<vmem>>
      %dma_start3A_197 = tpu.memref_slice %arg3[%add3A_80] : memref<16384xi32, #tpu.memory_space<hbm>> -> memref<128xi32, #tpu.memory_space<hbm>>
      tpu.enqueue_dma source(%dma_start3A_197 : memref<128xi32, #tpu.memory_space<hbm>>) target(%dma_start3A_196 : memref<128xi32, #tpu.memory_space<vmem>>) target_semaphore(%run_scoped3A_189 : memref<!tpu.dma_semaphore, #tpu.memory_space<semaphore_mem>>)
      %dma_wait3A_198 = arith.constant 0 : i32
      %dma_wait3A_199 = tpu.memref_slice %arg8[%run_scoped3A_81, %dma_wait3A_198] : memref<4x128xi32, #tpu.memory_space<vmem>> -> memref<1x128xi32, #tpu.memory_space<vmem>>
      %dma_wait3A_200 = tpu.memref_squeeze %dma_wait3A_199 : memref<1x128xi32, #tpu.memory_space<vmem>> -> memref<128xi32, #tpu.memory_space<vmem>>
      %dma_wait3A_201 = tpu.memref_slice %arg3[%add3A_80] : memref<16384xi32, #tpu.memory_space<hbm>> -> memref<128xi32, #tpu.memory_space<hbm>>
      %dma_wait3A_202 = arith.constant 0 : i32
      %dma_wait3A_203 = tpu.memref_slice %arg8[%run_scoped3A_81, %dma_wait3A_202] : memref<4x128xi32, #tpu.memory_space<vmem>> -> memref<1x128xi32, #tpu.memory_space<vmem>>
      %dma_wait3A_204 = tpu.memref_squeeze %dma_wait3A_203 : memref<1x128xi32, #tpu.memory_space<vmem>> -> memref<128xi32, #tpu.memory_space<vmem>>
      %dma_wait3A_205 = tpu.memref_slice %arg3[%add3A_80] : memref<16384xi32, #tpu.memory_space<hbm>> -> memref<128xi32, #tpu.memory_space<hbm>>
      tpu.wait_dma2 semaphore(%run_scoped3A_189 : memref<!tpu.dma_semaphore, #tpu.memory_space<semaphore_mem>>) src(%dma_wait3A_205 : memref<128xi32, #tpu.memory_space<hbm>>) dst(%dma_wait3A_204 : memref<128xi32, #tpu.memory_space<vmem>>)
      tpu.yield
    }) : () -> ()
    %dma_start3A_82 = arith.constant 2 : i32
    %dma_start3A_83 = arith.constant 256 : i32
    %dma_start3A_84 = arith.constant 0 : i32
    %dma_start3A_85 = tpu.memref_slice %arg10[%dma_start3A_83, %dma_start3A_84] : memref<512x16xf32, #tpu.memory_space<vmem>> -> memref<128x16xf32, #tpu.memory_space<vmem>>
    %dma_start3A_86 = arith.constant 0 : i32
    %dma_start3A_87 = tpu.memref_slice %arg8[%dma_start3A_82, %dma_start3A_86] : memref<4x128xi32, #tpu.memory_space<vmem>> -> memref<1x128xi32, #tpu.memory_space<vmem>>
    %dma_start3A_88 = tpu.memref_squeeze %dma_start3A_87 : memref<1x128xi32, #tpu.memory_space<vmem>> -> memref<128xi32, #tpu.memory_space<vmem>>
    %dma_start3A_89 = arith.constant 0 : i32
    %dma_start3A_90 = arith.constant 0 : i32
    %dma_start3A_91 = tpu.memref_slice %arg5[%dma_start3A_89, %dma_start3A_90] : memref<1000000x16xf32, #tpu.memory_space<hbm>> -> memref<1000000x16xf32, #tpu.memory_space<hbm>>
    tpu.enqueue_indirect_dma source(%dma_start3A_91 : memref<1000000x16xf32, #tpu.memory_space<hbm>>) target(%dma_start3A_85 : memref<128x16xf32, #tpu.memory_space<vmem>>) offsets(%dma_start3A_88 : memref<128xi32, #tpu.memory_space<vmem>>) semaphore(%arg12 : memref<!tpu.dma_semaphore, #tpu.memory_space<semaphore_mem>>)
    %add3A_92 = arith.constant 384 : i32
    %add3A_93 = arith.addi %mul3A_2, %add3A_92 : i32
    %run_scoped3A_94 = arith.constant 3 : i32
    "tpu.region"() ({
      %run_scoped3A_189 = tpu.sem_alloc : memref<!tpu.dma_semaphore, #tpu.memory_space<semaphore_mem>>
      %dma_start3A_190 = arith.constant 0 : i32
      %dma_start3A_191 = tpu.memref_slice %arg8[%run_scoped3A_94, %dma_start3A_190] : memref<4x128xi32, #tpu.memory_space<vmem>> -> memref<1x128xi32, #tpu.memory_space<vmem>>
      %dma_start3A_192 = tpu.memref_squeeze %dma_start3A_191 : memref<1x128xi32, #tpu.memory_space<vmem>> -> memref<128xi32, #tpu.memory_space<vmem>>
      %dma_start3A_193 = tpu.memref_slice %arg3[%add3A_93] : memref<16384xi32, #tpu.memory_space<hbm>> -> memref<128xi32, #tpu.memory_space<hbm>>
      %dma_start3A_194 = arith.constant 0 : i32
      %dma_start3A_195 = tpu.memref_slice %arg8[%run_scoped3A_94, %dma_start3A_194] : memref<4x128xi32, #tpu.memory_space<vmem>> -> memref<1x128xi32, #tpu.memory_space<vmem>>
      %dma_start3A_196 = tpu.memref_squeeze %dma_start3A_195 : memref<1x128xi32, #tpu.memory_space<vmem>> -> memref<128xi32, #tpu.memory_space<vmem>>
      %dma_start3A_197 = tpu.memref_slice %arg3[%add3A_93] : memref<16384xi32, #tpu.memory_space<hbm>> -> memref<128xi32, #tpu.memory_space<hbm>>
      tpu.enqueue_dma source(%dma_start3A_197 : memref<128xi32, #tpu.memory_space<hbm>>) target(%dma_start3A_196 : memref<128xi32, #tpu.memory_space<vmem>>) target_semaphore(%run_scoped3A_189 : memref<!tpu.dma_semaphore, #tpu.memory_space<semaphore_mem>>)
      %dma_wait3A_198 = arith.constant 0 : i32
      %dma_wait3A_199 = tpu.memref_slice %arg8[%run_scoped3A_94, %dma_wait3A_198] : memref<4x128xi32, #tpu.memory_space<vmem>> -> memref<1x128xi32, #tpu.memory_space<vmem>>
      %dma_wait3A_200 = tpu.memref_squeeze %dma_wait3A_199 : memref<1x128xi32, #tpu.memory_space<vmem>> -> memref<128xi32, #tpu.memory_space<vmem>>
      %dma_wait3A_201 = tpu.memref_slice %arg3[%add3A_93] : memref<16384xi32, #tpu.memory_space<hbm>> -> memref<128xi32, #tpu.memory_space<hbm>>
      %dma_wait3A_202 = arith.constant 0 : i32
      %dma_wait3A_203 = tpu.memref_slice %arg8[%run_scoped3A_94, %dma_wait3A_202] : memref<4x128xi32, #tpu.memory_space<vmem>> -> memref<1x128xi32, #tpu.memory_space<vmem>>
      %dma_wait3A_204 = tpu.memref_squeeze %dma_wait3A_203 : memref<1x128xi32, #tpu.memory_space<vmem>> -> memref<128xi32, #tpu.memory_space<vmem>>
      %dma_wait3A_205 = tpu.memref_slice %arg3[%add3A_93] : memref<16384xi32, #tpu.memory_space<hbm>> -> memref<128xi32, #tpu.memory_space<hbm>>
      tpu.wait_dma2 semaphore(%run_scoped3A_189 : memref<!tpu.dma_semaphore, #tpu.memory_space<semaphore_mem>>) src(%dma_wait3A_205 : memref<128xi32, #tpu.memory_space<hbm>>) dst(%dma_wait3A_204 : memref<128xi32, #tpu.memory_space<vmem>>)
      tpu.yield
    }) : () -> ()
    %dma_start3A_95 = arith.constant 3 : i32
    %dma_start3A_96 = arith.constant 384 : i32
    %dma_start3A_97 = arith.constant 0 : i32
    %dma_start3A_98 = tpu.memref_slice %arg10[%dma_start3A_96, %dma_start3A_97] : memref<512x16xf32, #tpu.memory_space<vmem>> -> memref<128x16xf32, #tpu.memory_space<vmem>>
    %dma_start3A_99 = arith.constant 0 : i32
    %dma_start3A_100 = tpu.memref_slice %arg8[%dma_start3A_95, %dma_start3A_99] : memref<4x128xi32, #tpu.memory_space<vmem>> -> memref<1x128xi32, #tpu.memory_space<vmem>>
    %dma_start3A_101 = tpu.memref_squeeze %dma_start3A_100 : memref<1x128xi32, #tpu.memory_space<vmem>> -> memref<128xi32, #tpu.memory_space<vmem>>
    %dma_start3A_102 = arith.constant 0 : i32
    %dma_start3A_103 = arith.constant 0 : i32
    %dma_start3A_104 = tpu.memref_slice %arg5[%dma_start3A_102, %dma_start3A_103] : memref<1000000x16xf32, #tpu.memory_space<hbm>> -> memref<1000000x16xf32, #tpu.memory_space<hbm>>
    tpu.enqueue_indirect_dma source(%dma_start3A_104 : memref<1000000x16xf32, #tpu.memory_space<hbm>>) target(%dma_start3A_98 : memref<128x16xf32, #tpu.memory_space<vmem>>) offsets(%dma_start3A_101 : memref<128xi32, #tpu.memory_space<vmem>>) semaphore(%arg12 : memref<!tpu.dma_semaphore, #tpu.memory_space<semaphore_mem>>)
    %dma_wait3A = arith.constant 0 : i32
    %dma_wait3A_105 = arith.constant 0 : i32
    %dma_wait3A_106 = arith.constant 0 : i32
    %dma_wait3A_107 = tpu.memref_slice %arg9[%dma_wait3A_105, %dma_wait3A_106] : memref<512x16xf32, #tpu.memory_space<vmem>> -> memref<128x16xf32, #tpu.memory_space<vmem>>
    %dma_wait3A_108 = arith.constant 0 : i32
    %dma_wait3A_109 = tpu.memref_slice %arg7[%dma_wait3A, %dma_wait3A_108] : memref<4x128xi32, #tpu.memory_space<vmem>> -> memref<1x128xi32, #tpu.memory_space<vmem>>
    %dma_wait3A_110 = tpu.memref_squeeze %dma_wait3A_109 : memref<1x128xi32, #tpu.memory_space<vmem>> -> memref<128xi32, #tpu.memory_space<vmem>>
    %dma_wait3A_111 = arith.constant 0 : i32
    %dma_wait3A_112 = arith.constant 0 : i32
    %dma_wait3A_113 = tpu.memref_slice %arg4[%dma_wait3A_111, %dma_wait3A_112] : memref<1000000x16xf32, #tpu.memory_space<hbm>> -> memref<1000000x16xf32, #tpu.memory_space<hbm>>
    tpu.wait_indirect_dma semaphore(%arg12 : memref<!tpu.dma_semaphore, #tpu.memory_space<semaphore_mem>>) src(%dma_wait3A_113 : memref<1000000x16xf32, #tpu.memory_space<hbm>>) dst(%dma_wait3A_107 : memref<128x16xf32, #tpu.memory_space<vmem>>)
    %dma_wait3A_114 = arith.constant 1 : i32
    %dma_wait3A_115 = arith.constant 128 : i32
    %dma_wait3A_116 = arith.constant 0 : i32
    %dma_wait3A_117 = tpu.memref_slice %arg9[%dma_wait3A_115, %dma_wait3A_116] : memref<512x16xf32, #tpu.memory_space<vmem>> -> memref<128x16xf32, #tpu.memory_space<vmem>>
    %dma_wait3A_118 = arith.constant 0 : i32
    %dma_wait3A_119 = tpu.memref_slice %arg7[%dma_wait3A_114, %dma_wait3A_118] : memref<4x128xi32, #tpu.memory_space<vmem>> -> memref<1x128xi32, #tpu.memory_space<vmem>>
    %dma_wait3A_120 = tpu.memref_squeeze %dma_wait3A_119 : memref<1x128xi32, #tpu.memory_space<vmem>> -> memref<128xi32, #tpu.memory_space<vmem>>
    %dma_wait3A_121 = arith.constant 0 : i32
    %dma_wait3A_122 = arith.constant 0 : i32
    %dma_wait3A_123 = tpu.memref_slice %arg4[%dma_wait3A_121, %dma_wait3A_122] : memref<1000000x16xf32, #tpu.memory_space<hbm>> -> memref<1000000x16xf32, #tpu.memory_space<hbm>>
    tpu.wait_indirect_dma semaphore(%arg12 : memref<!tpu.dma_semaphore, #tpu.memory_space<semaphore_mem>>) src(%dma_wait3A_123 : memref<1000000x16xf32, #tpu.memory_space<hbm>>) dst(%dma_wait3A_117 : memref<128x16xf32, #tpu.memory_space<vmem>>)
    %dma_wait3A_124 = arith.constant 2 : i32
    %dma_wait3A_125 = arith.constant 256 : i32
    %dma_wait3A_126 = arith.constant 0 : i32
    %dma_wait3A_127 = tpu.memref_slice %arg9[%dma_wait3A_125, %dma_wait3A_126] : memref<512x16xf32, #tpu.memory_space<vmem>> -> memref<128x16xf32, #tpu.memory_space<vmem>>
    %dma_wait3A_128 = arith.constant 0 : i32
    %dma_wait3A_129 = tpu.memref_slice %arg7[%dma_wait3A_124, %dma_wait3A_128] : memref<4x128xi32, #tpu.memory_space<vmem>> -> memref<1x128xi32, #tpu.memory_space<vmem>>
    %dma_wait3A_130 = tpu.memref_squeeze %dma_wait3A_129 : memref<1x128xi32, #tpu.memory_space<vmem>> -> memref<128xi32, #tpu.memory_space<vmem>>
    %dma_wait3A_131 = arith.constant 0 : i32
    %dma_wait3A_132 = arith.constant 0 : i32
    %dma_wait3A_133 = tpu.memref_slice %arg4[%dma_wait3A_131, %dma_wait3A_132] : memref<1000000x16xf32, #tpu.memory_space<hbm>> -> memref<1000000x16xf32, #tpu.memory_space<hbm>>
    tpu.wait_indirect_dma semaphore(%arg12 : memref<!tpu.dma_semaphore, #tpu.memory_space<semaphore_mem>>) src(%dma_wait3A_133 : memref<1000000x16xf32, #tpu.memory_space<hbm>>) dst(%dma_wait3A_127 : memref<128x16xf32, #tpu.memory_space<vmem>>)
    %dma_wait3A_134 = arith.constant 3 : i32
    %dma_wait3A_135 = arith.constant 384 : i32
    %dma_wait3A_136 = arith.constant 0 : i32
    %dma_wait3A_137 = tpu.memref_slice %arg9[%dma_wait3A_135, %dma_wait3A_136] : memref<512x16xf32, #tpu.memory_space<vmem>> -> memref<128x16xf32, #tpu.memory_space<vmem>>
    %dma_wait3A_138 = arith.constant 0 : i32
    %dma_wait3A_139 = tpu.memref_slice %arg7[%dma_wait3A_134, %dma_wait3A_138] : memref<4x128xi32, #tpu.memory_space<vmem>> -> memref<1x128xi32, #tpu.memory_space<vmem>>
    %dma_wait3A_140 = tpu.memref_squeeze %dma_wait3A_139 : memref<1x128xi32, #tpu.memory_space<vmem>> -> memref<128xi32, #tpu.memory_space<vmem>>
    %dma_wait3A_141 = arith.constant 0 : i32
    %dma_wait3A_142 = arith.constant 0 : i32
    %dma_wait3A_143 = tpu.memref_slice %arg4[%dma_wait3A_141, %dma_wait3A_142] : memref<1000000x16xf32, #tpu.memory_space<hbm>> -> memref<1000000x16xf32, #tpu.memory_space<hbm>>
    tpu.wait_indirect_dma semaphore(%arg12 : memref<!tpu.dma_semaphore, #tpu.memory_space<semaphore_mem>>) src(%dma_wait3A_143 : memref<1000000x16xf32, #tpu.memory_space<hbm>>) dst(%dma_wait3A_137 : memref<128x16xf32, #tpu.memory_space<vmem>>)
    %dma_wait3A_144 = arith.constant 0 : i32
    %dma_wait3A_145 = arith.constant 0 : i32
    %dma_wait3A_146 = arith.constant 0 : i32
    %dma_wait3A_147 = tpu.memref_slice %arg10[%dma_wait3A_145, %dma_wait3A_146] : memref<512x16xf32, #tpu.memory_space<vmem>> -> memref<128x16xf32, #tpu.memory_space<vmem>>
    %dma_wait3A_148 = arith.constant 0 : i32
    %dma_wait3A_149 = tpu.memref_slice %arg8[%dma_wait3A_144, %dma_wait3A_148] : memref<4x128xi32, #tpu.memory_space<vmem>> -> memref<1x128xi32, #tpu.memory_space<vmem>>
    %dma_wait3A_150 = tpu.memref_squeeze %dma_wait3A_149 : memref<1x128xi32, #tpu.memory_space<vmem>> -> memref<128xi32, #tpu.memory_space<vmem>>
    %dma_wait3A_151 = arith.constant 0 : i32
    %dma_wait3A_152 = arith.constant 0 : i32
    %dma_wait3A_153 = tpu.memref_slice %arg5[%dma_wait3A_151, %dma_wait3A_152] : memref<1000000x16xf32, #tpu.memory_space<hbm>> -> memref<1000000x16xf32, #tpu.memory_space<hbm>>
    tpu.wait_indirect_dma semaphore(%arg12 : memref<!tpu.dma_semaphore, #tpu.memory_space<semaphore_mem>>) src(%dma_wait3A_153 : memref<1000000x16xf32, #tpu.memory_space<hbm>>) dst(%dma_wait3A_147 : memref<128x16xf32, #tpu.memory_space<vmem>>)
    %dma_wait3A_154 = arith.constant 1 : i32
    %dma_wait3A_155 = arith.constant 128 : i32
    %dma_wait3A_156 = arith.constant 0 : i32
    %dma_wait3A_157 = tpu.memref_slice %arg10[%dma_wait3A_155, %dma_wait3A_156] : memref<512x16xf32, #tpu.memory_space<vmem>> -> memref<128x16xf32, #tpu.memory_space<vmem>>
    %dma_wait3A_158 = arith.constant 0 : i32
    %dma_wait3A_159 = tpu.memref_slice %arg8[%dma_wait3A_154, %dma_wait3A_158] : memref<4x128xi32, #tpu.memory_space<vmem>> -> memref<1x128xi32, #tpu.memory_space<vmem>>
    %dma_wait3A_160 = tpu.memref_squeeze %dma_wait3A_159 : memref<1x128xi32, #tpu.memory_space<vmem>> -> memref<128xi32, #tpu.memory_space<vmem>>
    %dma_wait3A_161 = arith.constant 0 : i32
    %dma_wait3A_162 = arith.constant 0 : i32
    %dma_wait3A_163 = tpu.memref_slice %arg5[%dma_wait3A_161, %dma_wait3A_162] : memref<1000000x16xf32, #tpu.memory_space<hbm>> -> memref<1000000x16xf32, #tpu.memory_space<hbm>>
    tpu.wait_indirect_dma semaphore(%arg12 : memref<!tpu.dma_semaphore, #tpu.memory_space<semaphore_mem>>) src(%dma_wait3A_163 : memref<1000000x16xf32, #tpu.memory_space<hbm>>) dst(%dma_wait3A_157 : memref<128x16xf32, #tpu.memory_space<vmem>>)
    %dma_wait3A_164 = arith.constant 2 : i32
    %dma_wait3A_165 = arith.constant 256 : i32
    %dma_wait3A_166 = arith.constant 0 : i32
    %dma_wait3A_167 = tpu.memref_slice %arg10[%dma_wait3A_165, %dma_wait3A_166] : memref<512x16xf32, #tpu.memory_space<vmem>> -> memref<128x16xf32, #tpu.memory_space<vmem>>
    %dma_wait3A_168 = arith.constant 0 : i32
    %dma_wait3A_169 = tpu.memref_slice %arg8[%dma_wait3A_164, %dma_wait3A_168] : memref<4x128xi32, #tpu.memory_space<vmem>> -> memref<1x128xi32, #tpu.memory_space<vmem>>
    %dma_wait3A_170 = tpu.memref_squeeze %dma_wait3A_169 : memref<1x128xi32, #tpu.memory_space<vmem>> -> memref<128xi32, #tpu.memory_space<vmem>>
    %dma_wait3A_171 = arith.constant 0 : i32
    %dma_wait3A_172 = arith.constant 0 : i32
    %dma_wait3A_173 = tpu.memref_slice %arg5[%dma_wait3A_171, %dma_wait3A_172] : memref<1000000x16xf32, #tpu.memory_space<hbm>> -> memref<1000000x16xf32, #tpu.memory_space<hbm>>
    tpu.wait_indirect_dma semaphore(%arg12 : memref<!tpu.dma_semaphore, #tpu.memory_space<semaphore_mem>>) src(%dma_wait3A_173 : memref<1000000x16xf32, #tpu.memory_space<hbm>>) dst(%dma_wait3A_167 : memref<128x16xf32, #tpu.memory_space<vmem>>)
    %dma_wait3A_174 = arith.constant 3 : i32
    %dma_wait3A_175 = arith.constant 384 : i32
    %dma_wait3A_176 = arith.constant 0 : i32
    %dma_wait3A_177 = tpu.memref_slice %arg10[%dma_wait3A_175, %dma_wait3A_176] : memref<512x16xf32, #tpu.memory_space<vmem>> -> memref<128x16xf32, #tpu.memory_space<vmem>>
    %dma_wait3A_178 = arith.constant 0 : i32
    %dma_wait3A_179 = tpu.memref_slice %arg8[%dma_wait3A_174, %dma_wait3A_178] : memref<4x128xi32, #tpu.memory_space<vmem>> -> memref<1x128xi32, #tpu.memory_space<vmem>>
    %dma_wait3A_180 = tpu.memref_squeeze %dma_wait3A_179 : memref<1x128xi32, #tpu.memory_space<vmem>> -> memref<128xi32, #tpu.memory_space<vmem>>
    %dma_wait3A_181 = arith.constant 0 : i32
    %dma_wait3A_182 = arith.constant 0 : i32
    %dma_wait3A_183 = tpu.memref_slice %arg5[%dma_wait3A_181, %dma_wait3A_182] : memref<1000000x16xf32, #tpu.memory_space<hbm>> -> memref<1000000x16xf32, #tpu.memory_space<hbm>>
    tpu.wait_indirect_dma semaphore(%arg12 : memref<!tpu.dma_semaphore, #tpu.memory_space<semaphore_mem>>) src(%dma_wait3A_183 : memref<1000000x16xf32, #tpu.memory_space<hbm>>) dst(%dma_wait3A_177 : memref<128x16xf32, #tpu.memory_space<vmem>>)
    %iota3A = tpu.iota {dimensions = array<i32: 0>} : vector<16xi32>
    %scan3A = arith.constant 0 : i32
    %scan3A_184 = arith.constant 0 : i32
    %scan3A_185 = arith.constant 32 : i32
    %scan3A_186 = arith.addi %scan3A_184, %scan3A_185 : i32
    %scan3A_187 = arith.constant 1 : i32
    scf.for %scan3A_189 = %scan3A_184 to %scan3A_186 step %scan3A_187  : i32 {
      %mul3A_190 = arith.constant 16 : i32
      %mul3A_191 = arith.muli %scan3A_189, %mul3A_190 : i32
      %broadcast_in_dim3A = arith.constant 0.000000e+00 : f32
      %broadcast_in_dim3A_192 = vector.broadcast %broadcast_in_dim3A : f32 to vector<16xf32>
      %add3A_193 = arith.constant 0 : i32
      %add3A_194 = arith.addi %mul3A_191, %add3A_193 : i32
      %get3A = arith.index_cast %add3A_194 : i32 to index
      %get3A_195 = arith.constant 0 : index
      %get3A_196 = tpu.vector_load %arg9[%get3A, %get3A_195] {strides = array<i32>} : memref<512x16xf32, #tpu.memory_space<vmem>>, vector<1x16xf32>,
      %get3A_197 = vector.shape_cast %get3A_196 : vector<1x16xf32> to vector<16xf32>
      %add3A_198 = arith.constant 0 : i32
      %add3A_199 = arith.addi %mul3A_191, %add3A_198 : i32
      %get3A_200 = arith.index_cast %add3A_199 : i32 to index
      %get3A_201 = arith.constant 0 : index
      %get3A_202 = tpu.vector_load %arg10[%get3A_200, %get3A_201] {strides = array<i32>} : memref<512x16xf32, #tpu.memory_space<vmem>>, vector<1x16xf32>,
      %get3A_203 = vector.shape_cast %get3A_202 : vector<1x16xf32> to vector<16xf32>
      %mul3A_204 = arith.mulf %get3A_197, %get3A_203 : vector<16xf32>
      %xor3A = arith.constant 1 : i32
      %xor3A_205 = vector.broadcast %xor3A : i32 to vector<16xi32>
      %xor3A_206 = arith.xori %iota3A, %xor3A_205 : vector<16xi32>
      %lt3A = arith.constant 0 : i32
      %lt3A_207 = vector.broadcast %lt3A : i32 to vector<16xi32>
      %lt3A_208 = arith.cmpi slt, %xor3A_206, %lt3A_207 : vector<16xi32>
      %add3A_209 = arith.constant 16 : i32
      %add3A_210 = vector.broadcast %add3A_209 : i32 to vector<16xi32>
      %add3A_211 = arith.addi %xor3A_206, %add3A_210 : vector<16xi32>
      %select_n3A = arith.select %lt3A_208, %add3A_211, %xor3A_206 : vector<16xi1>, vector<16xi32>
      %broadcast_in_dim3A_212 = vector.shape_cast %select_n3A : vector<16xi32> to vector<16x1xi32>
      %gather3A = vector.shape_cast %broadcast_in_dim3A_212 : vector<16x1xi32> to vector<16xi32>
      %gather3A_213 = tpu.dynamic_gather %mul3A_204[%gather3A] in [0] : vector<16xf32>, vector<16xi32> -> vector<16xf32>
      %add3A_214 = arith.addf %mul3A_204, %gather3A_213 : vector<16xf32>
      %xor3A_215 = arith.constant 2 : i32
      %xor3A_216 = vector.broadcast %xor3A_215 : i32 to vector<16xi32>
      %xor3A_217 = arith.xori %iota3A, %xor3A_216 : vector<16xi32>
      %lt3A_218 = arith.constant 0 : i32
      %lt3A_219 = vector.broadcast %lt3A_218 : i32 to vector<16xi32>
      %lt3A_220 = arith.cmpi slt, %xor3A_217, %lt3A_219 : vector<16xi32>
      %add3A_221 = arith.constant 16 : i32
      %add3A_222 = vector.broadcast %add3A_221 : i32 to vector<16xi32>
      %add3A_223 = arith.addi %xor3A_217, %add3A_222 : vector<16xi32>
      %select_n3A_224 = arith.select %lt3A_220, %add3A_223, %xor3A_217 : vector<16xi1>, vector<16xi32>
      %broadcast_in_dim3A_225 = vector.shape_cast %select_n3A_224 : vector<16xi32> to vector<16x1xi32>
      %gather3A_226 = vector.shape_cast %broadcast_in_dim3A_225 : vector<16x1xi32> to vector<16xi32>
      %gather3A_227 = tpu.dynamic_gather %add3A_214[%gather3A_226] in [0] : vector<16xf32>, vector<16xi32> -> vector<16xf32>
      %add3A_228 = arith.addf %add3A_214, %gather3A_227 : vector<16xf32>
      %xor3A_229 = arith.constant 4 : i32
      %xor3A_230 = vector.broadcast %xor3A_229 : i32 to vector<16xi32>
      %xor3A_231 = arith.xori %iota3A, %xor3A_230 : vector<16xi32>
      %lt3A_232 = arith.constant 0 : i32
      %lt3A_233 = vector.broadcast %lt3A_232 : i32 to vector<16xi32>
      %lt3A_234 = arith.cmpi slt, %xor3A_231, %lt3A_233 : vector<16xi32>
      %add3A_235 = arith.constant 16 : i32
      %add3A_236 = vector.broadcast %add3A_235 : i32 to vector<16xi32>
      %add3A_237 = arith.addi %xor3A_231, %add3A_236 : vector<16xi32>
      %select_n3A_238 = arith.select %lt3A_234, %add3A_237, %xor3A_231 : vector<16xi1>, vector<16xi32>
      %broadcast_in_dim3A_239 = vector.shape_cast %select_n3A_238 : vector<16xi32> to vector<16x1xi32>
      %gather3A_240 = vector.shape_cast %broadcast_in_dim3A_239 : vector<16x1xi32> to vector<16xi32>
      %gather3A_241 = tpu.dynamic_gather %add3A_228[%gather3A_240] in [0] : vector<16xf32>, vector<16xi32> -> vector<16xf32>
      %add3A_242 = arith.addf %add3A_228, %gather3A_241 : vector<16xf32>
      %xor3A_243 = arith.constant 8 : i32
      %xor3A_244 = vector.broadcast %xor3A_243 : i32 to vector<16xi32>
      %xor3A_245 = arith.xori %iota3A, %xor3A_244 : vector<16xi32>
      %lt3A_246 = arith.constant 0 : i32
      %lt3A_247 = vector.broadcast %lt3A_246 : i32 to vector<16xi32>
      %lt3A_248 = arith.cmpi slt, %xor3A_245, %lt3A_247 : vector<16xi32>
      %add3A_249 = arith.constant 16 : i32
      %add3A_250 = vector.broadcast %add3A_249 : i32 to vector<16xi32>
      %add3A_251 = arith.addi %xor3A_245, %add3A_250 : vector<16xi32>
      %select_n3A_252 = arith.select %lt3A_248, %add3A_251, %xor3A_245 : vector<16xi1>, vector<16xi32>
      %broadcast_in_dim3A_253 = vector.shape_cast %select_n3A_252 : vector<16xi32> to vector<16x1xi32>
      %gather3A_254 = vector.shape_cast %broadcast_in_dim3A_253 : vector<16x1xi32> to vector<16xi32>
      %gather3A_255 = tpu.dynamic_gather %add3A_242[%gather3A_254] in [0] : vector<16xf32>, vector<16xi32> -> vector<16xf32>
      %add3A_256 = arith.addf %add3A_242, %gather3A_255 : vector<16xf32>
      %eq3A = arith.constant 0 : i32
      %eq3A_257 = vector.broadcast %eq3A : i32 to vector<16xi32>
      %eq3A_258 = arith.cmpi eq, %iota3A, %eq3A_257 : vector<16xi32>
      %select_n3A_259 = arith.select %eq3A_258, %add3A_256, %broadcast_in_dim3A_192 : vector<16xi1>, vector<16xf32>
      %add3A_260 = arith.constant 1 : i32
      %add3A_261 = arith.addi %mul3A_191, %add3A_260 : i32
      %get3A_262 = arith.index_cast %add3A_261 : i32 to index
      %get3A_263 = arith.constant 0 : index
      %get3A_264 = tpu.vector_load %arg9[%get3A_262, %get3A_263] {strides = array<i32>} : memref<512x16xf32, #tpu.memory_space<vmem>>, vector<1x16xf32>,
      %get3A_265 = vector.shape_cast %get3A_264 : vector<1x16xf32> to vector<16xf32>
      %add3A_266 = arith.constant 1 : i32
      %add3A_267 = arith.addi %mul3A_191, %add3A_266 : i32
      %get3A_268 = arith.index_cast %add3A_267 : i32 to index
      %get3A_269 = arith.constant 0 : index
      %get3A_270 = tpu.vector_load %arg10[%get3A_268, %get3A_269] {strides = array<i32>} : memref<512x16xf32, #tpu.memory_space<vmem>>, vector<1x16xf32>,
      %get3A_271 = vector.shape_cast %get3A_270 : vector<1x16xf32> to vector<16xf32>
      %mul3A_272 = arith.mulf %get3A_265, %get3A_271 : vector<16xf32>
      %xor3A_273 = arith.constant 1 : i32
      %xor3A_274 = vector.broadcast %xor3A_273 : i32 to vector<16xi32>
      %xor3A_275 = arith.xori %iota3A, %xor3A_274 : vector<16xi32>
      %lt3A_276 = arith.constant 0 : i32
      %lt3A_277 = vector.broadcast %lt3A_276 : i32 to vector<16xi32>
      %lt3A_278 = arith.cmpi slt, %xor3A_275, %lt3A_277 : vector<16xi32>
      %add3A_279 = arith.constant 16 : i32
      %add3A_280 = vector.broadcast %add3A_279 : i32 to vector<16xi32>
      %add3A_281 = arith.addi %xor3A_275, %add3A_280 : vector<16xi32>
      %select_n3A_282 = arith.select %lt3A_278, %add3A_281, %xor3A_275 : vector<16xi1>, vector<16xi32>
      %broadcast_in_dim3A_283 = vector.shape_cast %select_n3A_282 : vector<16xi32> to vector<16x1xi32>
      %gather3A_284 = vector.shape_cast %broadcast_in_dim3A_283 : vector<16x1xi32> to vector<16xi32>
      %gather3A_285 = tpu.dynamic_gather %mul3A_272[%gather3A_284] in [0] : vector<16xf32>, vector<16xi32> -> vector<16xf32>
      %add3A_286 = arith.addf %mul3A_272, %gather3A_285 : vector<16xf32>
      %xor3A_287 = arith.constant 2 : i32
      %xor3A_288 = vector.broadcast %xor3A_287 : i32 to vector<16xi32>
      %xor3A_289 = arith.xori %iota3A, %xor3A_288 : vector<16xi32>
      %lt3A_290 = arith.constant 0 : i32
      %lt3A_291 = vector.broadcast %lt3A_290 : i32 to vector<16xi32>
      %lt3A_292 = arith.cmpi slt, %xor3A_289, %lt3A_291 : vector<16xi32>
      %add3A_293 = arith.constant 16 : i32
      %add3A_294 = vector.broadcast %add3A_293 : i32 to vector<16xi32>
      %add3A_295 = arith.addi %xor3A_289, %add3A_294 : vector<16xi32>
      %select_n3A_296 = arith.select %lt3A_292, %add3A_295, %xor3A_289 : vector<16xi1>, vector<16xi32>
      %broadcast_in_dim3A_297 = vector.shape_cast %select_n3A_296 : vector<16xi32> to vector<16x1xi32>
      %gather3A_298 = vector.shape_cast %broadcast_in_dim3A_297 : vector<16x1xi32> to vector<16xi32>
      %gather3A_299 = tpu.dynamic_gather %add3A_286[%gather3A_298] in [0] : vector<16xf32>, vector<16xi32> -> vector<16xf32>
      %add3A_300 = arith.addf %add3A_286, %gather3A_299 : vector<16xf32>
      %xor3A_301 = arith.constant 4 : i32
      %xor3A_302 = vector.broadcast %xor3A_301 : i32 to vector<16xi32>
      %xor3A_303 = arith.xori %iota3A, %xor3A_302 : vector<16xi32>
      %lt3A_304 = arith.constant 0 : i32
      %lt3A_305 = vector.broadcast %lt3A_304 : i32 to vector<16xi32>
      %lt3A_306 = arith.cmpi slt, %xor3A_303, %lt3A_305 : vector<16xi32>
      %add3A_307 = arith.constant 16 : i32
      %add3A_308 = vector.broadcast %add3A_307 : i32 to vector<16xi32>
      %add3A_309 = arith.addi %xor3A_303, %add3A_308 : vector<16xi32>
      %select_n3A_310 = arith.select %lt3A_306, %add3A_309, %xor3A_303 : vector<16xi1>, vector<16xi32>
      %broadcast_in_dim3A_311 = vector.shape_cast %select_n3A_310 : vector<16xi32> to vector<16x1xi32>
      %gather3A_312 = vector.shape_cast %broadcast_in_dim3A_311 : vector<16x1xi32> to vector<16xi32>
      %gather3A_313 = tpu.dynamic_gather %add3A_300[%gather3A_312] in [0] : vector<16xf32>, vector<16xi32> -> vector<16xf32>
      %add3A_314 = arith.addf %add3A_300, %gather3A_313 : vector<16xf32>
      %xor3A_315 = arith.constant 8 : i32
      %xor3A_316 = vector.broadcast %xor3A_315 : i32 to vector<16xi32>
      %xor3A_317 = arith.xori %iota3A, %xor3A_316 : vector<16xi32>
      %lt3A_318 = arith.constant 0 : i32
      %lt3A_319 = vector.broadcast %lt3A_318 : i32 to vector<16xi32>
      %lt3A_320 = arith.cmpi slt, %xor3A_317, %lt3A_319 : vector<16xi32>
      %add3A_321 = arith.constant 16 : i32
      %add3A_322 = vector.broadcast %add3A_321 : i32 to vector<16xi32>
      %add3A_323 = arith.addi %xor3A_317, %add3A_322 : vector<16xi32>
      %select_n3A_324 = arith.select %lt3A_320, %add3A_323, %xor3A_317 : vector<16xi1>, vector<16xi32>
      %broadcast_in_dim3A_325 = vector.shape_cast %select_n3A_324 : vector<16xi32> to vector<16x1xi32>
      %gather3A_326 = vector.shape_cast %broadcast_in_dim3A_325 : vector<16x1xi32> to vector<16xi32>
      %gather3A_327 = tpu.dynamic_gather %add3A_314[%gather3A_326] in [0] : vector<16xf32>, vector<16xi32> -> vector<16xf32>
      %add3A_328 = arith.addf %add3A_314, %gather3A_327 : vector<16xf32>
      %eq3A_329 = arith.constant 1 : i32
      %eq3A_330 = vector.broadcast %eq3A_329 : i32 to vector<16xi32>
      %eq3A_331 = arith.cmpi eq, %iota3A, %eq3A_330 : vector<16xi32>
      %select_n3A_332 = arith.select %eq3A_331, %add3A_328, %select_n3A_259 : vector<16xi1>, vector<16xf32>
      %add3A_333 = arith.constant 2 : i32
      %add3A_334 = arith.addi %mul3A_191, %add3A_333 : i32
      %get3A_335 = arith.index_cast %add3A_334 : i32 to index
      %get3A_336 = arith.constant 0 : index
      %get3A_337 = tpu.vector_load %arg9[%get3A_335, %get3A_336] {strides = array<i32>} : memref<512x16xf32, #tpu.memory_space<vmem>>, vector<1x16xf32>,
      %get3A_338 = vector.shape_cast %get3A_337 : vector<1x16xf32> to vector<16xf32>
      %add3A_339 = arith.constant 2 : i32
      %add3A_340 = arith.addi %mul3A_191, %add3A_339 : i32
      %get3A_341 = arith.index_cast %add3A_340 : i32 to index
      %get3A_342 = arith.constant 0 : index
      %get3A_343 = tpu.vector_load %arg10[%get3A_341, %get3A_342] {strides = array<i32>} : memref<512x16xf32, #tpu.memory_space<vmem>>, vector<1x16xf32>,
      %get3A_344 = vector.shape_cast %get3A_343 : vector<1x16xf32> to vector<16xf32>
      %mul3A_345 = arith.mulf %get3A_338, %get3A_344 : vector<16xf32>
      %xor3A_346 = arith.constant 1 : i32
      %xor3A_347 = vector.broadcast %xor3A_346 : i32 to vector<16xi32>
      %xor3A_348 = arith.xori %iota3A, %xor3A_347 : vector<16xi32>
      %lt3A_349 = arith.constant 0 : i32
      %lt3A_350 = vector.broadcast %lt3A_349 : i32 to vector<16xi32>
      %lt3A_351 = arith.cmpi slt, %xor3A_348, %lt3A_350 : vector<16xi32>
      %add3A_352 = arith.constant 16 : i32
      %add3A_353 = vector.broadcast %add3A_352 : i32 to vector<16xi32>
      %add3A_354 = arith.addi %xor3A_348, %add3A_353 : vector<16xi32>
      %select_n3A_355 = arith.select %lt3A_351, %add3A_354, %xor3A_348 : vector<16xi1>, vector<16xi32>
      %broadcast_in_dim3A_356 = vector.shape_cast %select_n3A_355 : vector<16xi32> to vector<16x1xi32>
      %gather3A_357 = vector.shape_cast %broadcast_in_dim3A_356 : vector<16x1xi32> to vector<16xi32>
      %gather3A_358 = tpu.dynamic_gather %mul3A_345[%gather3A_357] in [0] : vector<16xf32>, vector<16xi32> -> vector<16xf32>
      %add3A_359 = arith.addf %mul3A_345, %gather3A_358 : vector<16xf32>
      %xor3A_360 = arith.constant 2 : i32
      %xor3A_361 = vector.broadcast %xor3A_360 : i32 to vector<16xi32>
      %xor3A_362 = arith.xori %iota3A, %xor3A_361 : vector<16xi32>
      %lt3A_363 = arith.constant 0 : i32
      %lt3A_364 = vector.broadcast %lt3A_363 : i32 to vector<16xi32>
      %lt3A_365 = arith.cmpi slt, %xor3A_362, %lt3A_364 : vector<16xi32>
      %add3A_366 = arith.constant 16 : i32
      %add3A_367 = vector.broadcast %add3A_366 : i32 to vector<16xi32>
      %add3A_368 = arith.addi %xor3A_362, %add3A_367 : vector<16xi32>
      %select_n3A_369 = arith.select %lt3A_365, %add3A_368, %xor3A_362 : vector<16xi1>, vector<16xi32>
      %broadcast_in_dim3A_370 = vector.shape_cast %select_n3A_369 : vector<16xi32> to vector<16x1xi32>
      %gather3A_371 = vector.shape_cast %broadcast_in_dim3A_370 : vector<16x1xi32> to vector<16xi32>
      %gather3A_372 = tpu.dynamic_gather %add3A_359[%gather3A_371] in [0] : vector<16xf32>, vector<16xi32> -> vector<16xf32>
      %add3A_373 = arith.addf %add3A_359, %gather3A_372 : vector<16xf32>
      %xor3A_374 = arith.constant 4 : i32
      %xor3A_375 = vector.broadcast %xor3A_374 : i32 to vector<16xi32>
      %xor3A_376 = arith.xori %iota3A, %xor3A_375 : vector<16xi32>
      %lt3A_377 = arith.constant 0 : i32
      %lt3A_378 = vector.broadcast %lt3A_377 : i32 to vector<16xi32>
      %lt3A_379 = arith.cmpi slt, %xor3A_376, %lt3A_378 : vector<16xi32>
      %add3A_380 = arith.constant 16 : i32
      %add3A_381 = vector.broadcast %add3A_380 : i32 to vector<16xi32>
      %add3A_382 = arith.addi %xor3A_376, %add3A_381 : vector<16xi32>
      %select_n3A_383 = arith.select %lt3A_379, %add3A_382, %xor3A_376 : vector<16xi1>, vector<16xi32>
      %broadcast_in_dim3A_384 = vector.shape_cast %select_n3A_383 : vector<16xi32> to vector<16x1xi32>
      %gather3A_385 = vector.shape_cast %broadcast_in_dim3A_384 : vector<16x1xi32> to vector<16xi32>
      %gather3A_386 = tpu.dynamic_gather %add3A_373[%gather3A_385] in [0] : vector<16xf32>, vector<16xi32> -> vector<16xf32>
      %add3A_387 = arith.addf %add3A_373, %gather3A_386 : vector<16xf32>
      %xor3A_388 = arith.constant 8 : i32
      %xor3A_389 = vector.broadcast %xor3A_388 : i32 to vector<16xi32>
      %xor3A_390 = arith.xori %iota3A, %xor3A_389 : vector<16xi32>
      %lt3A_391 = arith.constant 0 : i32
      %lt3A_392 = vector.broadcast %lt3A_391 : i32 to vector<16xi32>
      %lt3A_393 = arith.cmpi slt, %xor3A_390, %lt3A_392 : vector<16xi32>
      %add3A_394 = arith.constant 16 : i32
      %add3A_395 = vector.broadcast %add3A_394 : i32 to vector<16xi32>
      %add3A_396 = arith.addi %xor3A_390, %add3A_395 : vector<16xi32>
      %select_n3A_397 = arith.select %lt3A_393, %add3A_396, %xor3A_390 : vector<16xi1>, vector<16xi32>
      %broadcast_in_dim3A_398 = vector.shape_cast %select_n3A_397 : vector<16xi32> to vector<16x1xi32>
      %gather3A_399 = vector.shape_cast %broadcast_in_dim3A_398 : vector<16x1xi32> to vector<16xi32>
      %gather3A_400 = tpu.dynamic_gather %add3A_387[%gather3A_399] in [0] : vector<16xf32>, vector<16xi32> -> vector<16xf32>
      %add3A_401 = arith.addf %add3A_387, %gather3A_400 : vector<16xf32>
      %eq3A_402 = arith.constant 2 : i32
      %eq3A_403 = vector.broadcast %eq3A_402 : i32 to vector<16xi32>
      %eq3A_404 = arith.cmpi eq, %iota3A, %eq3A_403 : vector<16xi32>
      %select_n3A_405 = arith.select %eq3A_404, %add3A_401, %select_n3A_332 : vector<16xi1>, vector<16xf32>
      %add3A_406 = arith.constant 3 : i32
      %add3A_407 = arith.addi %mul3A_191, %add3A_406 : i32
      %get3A_408 = arith.index_cast %add3A_407 : i32 to index
      %get3A_409 = arith.constant 0 : index
      %get3A_410 = tpu.vector_load %arg9[%get3A_408, %get3A_409] {strides = array<i32>} : memref<512x16xf32, #tpu.memory_space<vmem>>, vector<1x16xf32>,
      %get3A_411 = vector.shape_cast %get3A_410 : vector<1x16xf32> to vector<16xf32>
      %add3A_412 = arith.constant 3 : i32
      %add3A_413 = arith.addi %mul3A_191, %add3A_412 : i32
      %get3A_414 = arith.index_cast %add3A_413 : i32 to index
      %get3A_415 = arith.constant 0 : index
      %get3A_416 = tpu.vector_load %arg10[%get3A_414, %get3A_415] {strides = array<i32>} : memref<512x16xf32, #tpu.memory_space<vmem>>, vector<1x16xf32>,
      %get3A_417 = vector.shape_cast %get3A_416 : vector<1x16xf32> to vector<16xf32>
      %mul3A_418 = arith.mulf %get3A_411, %get3A_417 : vector<16xf32>
      %xor3A_419 = arith.constant 1 : i32
      %xor3A_420 = vector.broadcast %xor3A_419 : i32 to vector<16xi32>
      %xor3A_421 = arith.xori %iota3A, %xor3A_420 : vector<16xi32>
      %lt3A_422 = arith.constant 0 : i32
      %lt3A_423 = vector.broadcast %lt3A_422 : i32 to vector<16xi32>
      %lt3A_424 = arith.cmpi slt, %xor3A_421, %lt3A_423 : vector<16xi32>
      %add3A_425 = arith.constant 16 : i32
      %add3A_426 = vector.broadcast %add3A_425 : i32 to vector<16xi32>
      %add3A_427 = arith.addi %xor3A_421, %add3A_426 : vector<16xi32>
      %select_n3A_428 = arith.select %lt3A_424, %add3A_427, %xor3A_421 : vector<16xi1>, vector<16xi32>
      %broadcast_in_dim3A_429 = vector.shape_cast %select_n3A_428 : vector<16xi32> to vector<16x1xi32>
      %gather3A_430 = vector.shape_cast %broadcast_in_dim3A_429 : vector<16x1xi32> to vector<16xi32>
      %gather3A_431 = tpu.dynamic_gather %mul3A_418[%gather3A_430] in [0] : vector<16xf32>, vector<16xi32> -> vector<16xf32>
      %add3A_432 = arith.addf %mul3A_418, %gather3A_431 : vector<16xf32>
      %xor3A_433 = arith.constant 2 : i32
      %xor3A_434 = vector.broadcast %xor3A_433 : i32 to vector<16xi32>
      %xor3A_435 = arith.xori %iota3A, %xor3A_434 : vector<16xi32>
      %lt3A_436 = arith.constant 0 : i32
      %lt3A_437 = vector.broadcast %lt3A_436 : i32 to vector<16xi32>
      %lt3A_438 = arith.cmpi slt, %xor3A_435, %lt3A_437 : vector<16xi32>
      %add3A_439 = arith.constant 16 : i32
      %add3A_440 = vector.broadcast %add3A_439 : i32 to vector<16xi32>
      %add3A_441 = arith.addi %xor3A_435, %add3A_440 : vector<16xi32>
      %select_n3A_442 = arith.select %lt3A_438, %add3A_441, %xor3A_435 : vector<16xi1>, vector<16xi32>
      %broadcast_in_dim3A_443 = vector.shape_cast %select_n3A_442 : vector<16xi32> to vector<16x1xi32>
      %gather3A_444 = vector.shape_cast %broadcast_in_dim3A_443 : vector<16x1xi32> to vector<16xi32>
      %gather3A_445 = tpu.dynamic_gather %add3A_432[%gather3A_444] in [0] : vector<16xf32>, vector<16xi32> -> vector<16xf32>
      %add3A_446 = arith.addf %add3A_432, %gather3A_445 : vector<16xf32>
      %xor3A_447 = arith.constant 4 : i32
      %xor3A_448 = vector.broadcast %xor3A_447 : i32 to vector<16xi32>
      %xor3A_449 = arith.xori %iota3A, %xor3A_448 : vector<16xi32>
      %lt3A_450 = arith.constant 0 : i32
      %lt3A_451 = vector.broadcast %lt3A_450 : i32 to vector<16xi32>
      %lt3A_452 = arith.cmpi slt, %xor3A_449, %lt3A_451 : vector<16xi32>
      %add3A_453 = arith.constant 16 : i32
      %add3A_454 = vector.broadcast %add3A_453 : i32 to vector<16xi32>
      %add3A_455 = arith.addi %xor3A_449, %add3A_454 : vector<16xi32>
      %select_n3A_456 = arith.select %lt3A_452, %add3A_455, %xor3A_449 : vector<16xi1>, vector<16xi32>
      %broadcast_in_dim3A_457 = vector.shape_cast %select_n3A_456 : vector<16xi32> to vector<16x1xi32>
      %gather3A_458 = vector.shape_cast %broadcast_in_dim3A_457 : vector<16x1xi32> to vector<16xi32>
      %gather3A_459 = tpu.dynamic_gather %add3A_446[%gather3A_458] in [0] : vector<16xf32>, vector<16xi32> -> vector<16xf32>
      %add3A_460 = arith.addf %add3A_446, %gather3A_459 : vector<16xf32>
      %xor3A_461 = arith.constant 8 : i32
      %xor3A_462 = vector.broadcast %xor3A_461 : i32 to vector<16xi32>
      %xor3A_463 = arith.xori %iota3A, %xor3A_462 : vector<16xi32>
      %lt3A_464 = arith.constant 0 : i32
      %lt3A_465 = vector.broadcast %lt3A_464 : i32 to vector<16xi32>
      %lt3A_466 = arith.cmpi slt, %xor3A_463, %lt3A_465 : vector<16xi32>
      %add3A_467 = arith.constant 16 : i32
      %add3A_468 = vector.broadcast %add3A_467 : i32 to vector<16xi32>
      %add3A_469 = arith.addi %xor3A_463, %add3A_468 : vector<16xi32>
      %select_n3A_470 = arith.select %lt3A_466, %add3A_469, %xor3A_463 : vector<16xi1>, vector<16xi32>
      %broadcast_in_dim3A_471 = vector.shape_cast %select_n3A_470 : vector<16xi32> to vector<16x1xi32>
      %gather3A_472 = vector.shape_cast %broadcast_in_dim3A_471 : vector<16x1xi32> to vector<16xi32>
      %gather3A_473 = tpu.dynamic_gather %add3A_460[%gather3A_472] in [0] : vector<16xf32>, vector<16xi32> -> vector<16xf32>
      %add3A_474 = arith.addf %add3A_460, %gather3A_473 : vector<16xf32>
      %eq3A_475 = arith.constant 3 : i32
      %eq3A_476 = vector.broadcast %eq3A_475 : i32 to vector<16xi32>
      %eq3A_477 = arith.cmpi eq, %iota3A, %eq3A_476 : vector<16xi32>
      %select_n3A_478 = arith.select %eq3A_477, %add3A_474, %select_n3A_405 : vector<16xi1>, vector<16xf32>
      %add3A_479 = arith.constant 4 : i32
      %add3A_480 = arith.addi %mul3A_191, %add3A_479 : i32
      %get3A_481 = arith.index_cast %add3A_480 : i32 to index
      %get3A_482 = arith.constant 0 : index
      %get3A_483 = tpu.vector_load %arg9[%get3A_481, %get3A_482] {strides = array<i32>} : memref<512x16xf32, #tpu.memory_space<vmem>>, vector<1x16xf32>,
      %get3A_484 = vector.shape_cast %get3A_483 : vector<1x16xf32> to vector<16xf32>
      %add3A_485 = arith.constant 4 : i32
      %add3A_486 = arith.addi %mul3A_191, %add3A_485 : i32
      %get3A_487 = arith.index_cast %add3A_486 : i32 to index
      %get3A_488 = arith.constant 0 : index
      %get3A_489 = tpu.vector_load %arg10[%get3A_487, %get3A_488] {strides = array<i32>} : memref<512x16xf32, #tpu.memory_space<vmem>>, vector<1x16xf32>,
      %get3A_490 = vector.shape_cast %get3A_489 : vector<1x16xf32> to vector<16xf32>
      %mul3A_491 = arith.mulf %get3A_484, %get3A_490 : vector<16xf32>
      %xor3A_492 = arith.constant 1 : i32
      %xor3A_493 = vector.broadcast %xor3A_492 : i32 to vector<16xi32>
      %xor3A_494 = arith.xori %iota3A, %xor3A_493 : vector<16xi32>
      %lt3A_495 = arith.constant 0 : i32
      %lt3A_496 = vector.broadcast %lt3A_495 : i32 to vector<16xi32>
      %lt3A_497 = arith.cmpi slt, %xor3A_494, %lt3A_496 : vector<16xi32>
      %add3A_498 = arith.constant 16 : i32
      %add3A_499 = vector.broadcast %add3A_498 : i32 to vector<16xi32>
      %add3A_500 = arith.addi %xor3A_494, %add3A_499 : vector<16xi32>
      %select_n3A_501 = arith.select %lt3A_497, %add3A_500, %xor3A_494 : vector<16xi1>, vector<16xi32>
      %broadcast_in_dim3A_502 = vector.shape_cast %select_n3A_501 : vector<16xi32> to vector<16x1xi32>
      %gather3A_503 = vector.shape_cast %broadcast_in_dim3A_502 : vector<16x1xi32> to vector<16xi32>
      %gather3A_504 = tpu.dynamic_gather %mul3A_491[%gather3A_503] in [0] : vector<16xf32>, vector<16xi32> -> vector<16xf32>
      %add3A_505 = arith.addf %mul3A_491, %gather3A_504 : vector<16xf32>
      %xor3A_506 = arith.constant 2 : i32
      %xor3A_507 = vector.broadcast %xor3A_506 : i32 to vector<16xi32>
      %xor3A_508 = arith.xori %iota3A, %xor3A_507 : vector<16xi32>
      %lt3A_509 = arith.constant 0 : i32
      %lt3A_510 = vector.broadcast %lt3A_509 : i32 to vector<16xi32>
      %lt3A_511 = arith.cmpi slt, %xor3A_508, %lt3A_510 : vector<16xi32>
      %add3A_512 = arith.constant 16 : i32
      %add3A_513 = vector.broadcast %add3A_512 : i32 to vector<16xi32>
      %add3A_514 = arith.addi %xor3A_508, %add3A_513 : vector<16xi32>
      %select_n3A_515 = arith.select %lt3A_511, %add3A_514, %xor3A_508 : vector<16xi1>, vector<16xi32>
      %broadcast_in_dim3A_516 = vector.shape_cast %select_n3A_515 : vector<16xi32> to vector<16x1xi32>
      %gather3A_517 = vector.shape_cast %broadcast_in_dim3A_516 : vector<16x1xi32> to vector<16xi32>
      %gather3A_518 = tpu.dynamic_gather %add3A_505[%gather3A_517] in [0] : vector<16xf32>, vector<16xi32> -> vector<16xf32>
      %add3A_519 = arith.addf %add3A_505, %gather3A_518 : vector<16xf32>
      %xor3A_520 = arith.constant 4 : i32
      %xor3A_521 = vector.broadcast %xor3A_520 : i32 to vector<16xi32>
      %xor3A_522 = arith.xori %iota3A, %xor3A_521 : vector<16xi32>
      %lt3A_523 = arith.constant 0 : i32
      %lt3A_524 = vector.broadcast %lt3A_523 : i32 to vector<16xi32>
      %lt3A_525 = arith.cmpi slt, %xor3A_522, %lt3A_524 : vector<16xi32>
      %add3A_526 = arith.constant 16 : i32
      %add3A_527 = vector.broadcast %add3A_526 : i32 to vector<16xi32>
      %add3A_528 = arith.addi %xor3A_522, %add3A_527 : vector<16xi32>
      %select_n3A_529 = arith.select %lt3A_525, %add3A_528, %xor3A_522 : vector<16xi1>, vector<16xi32>
      %broadcast_in_dim3A_530 = vector.shape_cast %select_n3A_529 : vector<16xi32> to vector<16x1xi32>
      %gather3A_531 = vector.shape_cast %broadcast_in_dim3A_530 : vector<16x1xi32> to vector<16xi32>
      %gather3A_532 = tpu.dynamic_gather %add3A_519[%gather3A_531] in [0] : vector<16xf32>, vector<16xi32> -> vector<16xf32>
      %add3A_533 = arith.addf %add3A_519, %gather3A_532 : vector<16xf32>
      %xor3A_534 = arith.constant 8 : i32
      %xor3A_535 = vector.broadcast %xor3A_534 : i32 to vector<16xi32>
      %xor3A_536 = arith.xori %iota3A, %xor3A_535 : vector<16xi32>
      %lt3A_537 = arith.constant 0 : i32
      %lt3A_538 = vector.broadcast %lt3A_537 : i32 to vector<16xi32>
      %lt3A_539 = arith.cmpi slt, %xor3A_536, %lt3A_538 : vector<16xi32>
      %add3A_540 = arith.constant 16 : i32
      %add3A_541 = vector.broadcast %add3A_540 : i32 to vector<16xi32>
      %add3A_542 = arith.addi %xor3A_536, %add3A_541 : vector<16xi32>
      %select_n3A_543 = arith.select %lt3A_539, %add3A_542, %xor3A_536 : vector<16xi1>, vector<16xi32>
      %broadcast_in_dim3A_544 = vector.shape_cast %select_n3A_543 : vector<16xi32> to vector<16x1xi32>
      %gather3A_545 = vector.shape_cast %broadcast_in_dim3A_544 : vector<16x1xi32> to vector<16xi32>
      %gather3A_546 = tpu.dynamic_gather %add3A_533[%gather3A_545] in [0] : vector<16xf32>, vector<16xi32> -> vector<16xf32>
      %add3A_547 = arith.addf %add3A_533, %gather3A_546 : vector<16xf32>
      %eq3A_548 = arith.constant 4 : i32
      %eq3A_549 = vector.broadcast %eq3A_548 : i32 to vector<16xi32>
      %eq3A_550 = arith.cmpi eq, %iota3A, %eq3A_549 : vector<16xi32>
      %select_n3A_551 = arith.select %eq3A_550, %add3A_547, %select_n3A_478 : vector<16xi1>, vector<16xf32>
      %add3A_552 = arith.constant 5 : i32
      %add3A_553 = arith.addi %mul3A_191, %add3A_552 : i32
      %get3A_554 = arith.index_cast %add3A_553 : i32 to index
      %get3A_555 = arith.constant 0 : index
      %get3A_556 = tpu.vector_load %arg9[%get3A_554, %get3A_555] {strides = array<i32>} : memref<512x16xf32, #tpu.memory_space<vmem>>, vector<1x16xf32>,
      %get3A_557 = vector.shape_cast %get3A_556 : vector<1x16xf32> to vector<16xf32>
      %add3A_558 = arith.constant 5 : i32
      %add3A_559 = arith.addi %mul3A_191, %add3A_558 : i32
      %get3A_560 = arith.index_cast %add3A_559 : i32 to index
      %get3A_561 = arith.constant 0 : index
      %get3A_562 = tpu.vector_load %arg10[%get3A_560, %get3A_561] {strides = array<i32>} : memref<512x16xf32, #tpu.memory_space<vmem>>, vector<1x16xf32>,
      %get3A_563 = vector.shape_cast %get3A_562 : vector<1x16xf32> to vector<16xf32>
      %mul3A_564 = arith.mulf %get3A_557, %get3A_563 : vector<16xf32>
      %xor3A_565 = arith.constant 1 : i32
      %xor3A_566 = vector.broadcast %xor3A_565 : i32 to vector<16xi32>
      %xor3A_567 = arith.xori %iota3A, %xor3A_566 : vector<16xi32>
      %lt3A_568 = arith.constant 0 : i32
      %lt3A_569 = vector.broadcast %lt3A_568 : i32 to vector<16xi32>
      %lt3A_570 = arith.cmpi slt, %xor3A_567, %lt3A_569 : vector<16xi32>
      %add3A_571 = arith.constant 16 : i32
      %add3A_572 = vector.broadcast %add3A_571 : i32 to vector<16xi32>
      %add3A_573 = arith.addi %xor3A_567, %add3A_572 : vector<16xi32>
      %select_n3A_574 = arith.select %lt3A_570, %add3A_573, %xor3A_567 : vector<16xi1>, vector<16xi32>
      %broadcast_in_dim3A_575 = vector.shape_cast %select_n3A_574 : vector<16xi32> to vector<16x1xi32>
      %gather3A_576 = vector.shape_cast %broadcast_in_dim3A_575 : vector<16x1xi32> to vector<16xi32>
      %gather3A_577 = tpu.dynamic_gather %mul3A_564[%gather3A_576] in [0] : vector<16xf32>, vector<16xi32> -> vector<16xf32>
      %add3A_578 = arith.addf %mul3A_564, %gather3A_577 : vector<16xf32>
      %xor3A_579 = arith.constant 2 : i32
      %xor3A_580 = vector.broadcast %xor3A_579 : i32 to vector<16xi32>
      %xor3A_581 = arith.xori %iota3A, %xor3A_580 : vector<16xi32>
      %lt3A_582 = arith.constant 0 : i32
      %lt3A_583 = vector.broadcast %lt3A_582 : i32 to vector<16xi32>
      %lt3A_584 = arith.cmpi slt, %xor3A_581, %lt3A_583 : vector<16xi32>
      %add3A_585 = arith.constant 16 : i32
      %add3A_586 = vector.broadcast %add3A_585 : i32 to vector<16xi32>
      %add3A_587 = arith.addi %xor3A_581, %add3A_586 : vector<16xi32>
      %select_n3A_588 = arith.select %lt3A_584, %add3A_587, %xor3A_581 : vector<16xi1>, vector<16xi32>
      %broadcast_in_dim3A_589 = vector.shape_cast %select_n3A_588 : vector<16xi32> to vector<16x1xi32>
      %gather3A_590 = vector.shape_cast %broadcast_in_dim3A_589 : vector<16x1xi32> to vector<16xi32>
      %gather3A_591 = tpu.dynamic_gather %add3A_578[%gather3A_590] in [0] : vector<16xf32>, vector<16xi32> -> vector<16xf32>
      %add3A_592 = arith.addf %add3A_578, %gather3A_591 : vector<16xf32>
      %xor3A_593 = arith.constant 4 : i32
      %xor3A_594 = vector.broadcast %xor3A_593 : i32 to vector<16xi32>
      %xor3A_595 = arith.xori %iota3A, %xor3A_594 : vector<16xi32>
      %lt3A_596 = arith.constant 0 : i32
      %lt3A_597 = vector.broadcast %lt3A_596 : i32 to vector<16xi32>
      %lt3A_598 = arith.cmpi slt, %xor3A_595, %lt3A_597 : vector<16xi32>
      %add3A_599 = arith.constant 16 : i32
      %add3A_600 = vector.broadcast %add3A_599 : i32 to vector<16xi32>
      %add3A_601 = arith.addi %xor3A_595, %add3A_600 : vector<16xi32>
      %select_n3A_602 = arith.select %lt3A_598, %add3A_601, %xor3A_595 : vector<16xi1>, vector<16xi32>
      %broadcast_in_dim3A_603 = vector.shape_cast %select_n3A_602 : vector<16xi32> to vector<16x1xi32>
      %gather3A_604 = vector.shape_cast %broadcast_in_dim3A_603 : vector<16x1xi32> to vector<16xi32>
      %gather3A_605 = tpu.dynamic_gather %add3A_592[%gather3A_604] in [0] : vector<16xf32>, vector<16xi32> -> vector<16xf32>
      %add3A_606 = arith.addf %add3A_592, %gather3A_605 : vector<16xf32>
      %xor3A_607 = arith.constant 8 : i32
      %xor3A_608 = vector.broadcast %xor3A_607 : i32 to vector<16xi32>
      %xor3A_609 = arith.xori %iota3A, %xor3A_608 : vector<16xi32>
      %lt3A_610 = arith.constant 0 : i32
      %lt3A_611 = vector.broadcast %lt3A_610 : i32 to vector<16xi32>
      %lt3A_612 = arith.cmpi slt, %xor3A_609, %lt3A_611 : vector<16xi32>
      %add3A_613 = arith.constant 16 : i32
      %add3A_614 = vector.broadcast %add3A_613 : i32 to vector<16xi32>
      %add3A_615 = arith.addi %xor3A_609, %add3A_614 : vector<16xi32>
      %select_n3A_616 = arith.select %lt3A_612, %add3A_615, %xor3A_609 : vector<16xi1>, vector<16xi32>
      %broadcast_in_dim3A_617 = vector.shape_cast %select_n3A_616 : vector<16xi32> to vector<16x1xi32>
      %gather3A_618 = vector.shape_cast %broadcast_in_dim3A_617 : vector<16x1xi32> to vector<16xi32>
      %gather3A_619 = tpu.dynamic_gather %add3A_606[%gather3A_618] in [0] : vector<16xf32>, vector<16xi32> -> vector<16xf32>
      %add3A_620 = arith.addf %add3A_606, %gather3A_619 : vector<16xf32>
      %eq3A_621 = arith.constant 5 : i32
      %eq3A_622 = vector.broadcast %eq3A_621 : i32 to vector<16xi32>
      %eq3A_623 = arith.cmpi eq, %iota3A, %eq3A_622 : vector<16xi32>
      %select_n3A_624 = arith.select %eq3A_623, %add3A_620, %select_n3A_551 : vector<16xi1>, vector<16xf32>
      %add3A_625 = arith.constant 6 : i32
      %add3A_626 = arith.addi %mul3A_191, %add3A_625 : i32
      %get3A_627 = arith.index_cast %add3A_626 : i32 to index
      %get3A_628 = arith.constant 0 : index
      %get3A_629 = tpu.vector_load %arg9[%get3A_627, %get3A_628] {strides = array<i32>} : memref<512x16xf32, #tpu.memory_space<vmem>>, vector<1x16xf32>,
      %get3A_630 = vector.shape_cast %get3A_629 : vector<1x16xf32> to vector<16xf32>
      %add3A_631 = arith.constant 6 : i32
      %add3A_632 = arith.addi %mul3A_191, %add3A_631 : i32
      %get3A_633 = arith.index_cast %add3A_632 : i32 to index
      %get3A_634 = arith.constant 0 : index
      %get3A_635 = tpu.vector_load %arg10[%get3A_633, %get3A_634] {strides = array<i32>} : memref<512x16xf32, #tpu.memory_space<vmem>>, vector<1x16xf32>,
      %get3A_636 = vector.shape_cast %get3A_635 : vector<1x16xf32> to vector<16xf32>
      %mul3A_637 = arith.mulf %get3A_630, %get3A_636 : vector<16xf32>
      %xor3A_638 = arith.constant 1 : i32
      %xor3A_639 = vector.broadcast %xor3A_638 : i32 to vector<16xi32>
      %xor3A_640 = arith.xori %iota3A, %xor3A_639 : vector<16xi32>
      %lt3A_641 = arith.constant 0 : i32
      %lt3A_642 = vector.broadcast %lt3A_641 : i32 to vector<16xi32>
      %lt3A_643 = arith.cmpi slt, %xor3A_640, %lt3A_642 : vector<16xi32>
      %add3A_644 = arith.constant 16 : i32
      %add3A_645 = vector.broadcast %add3A_644 : i32 to vector<16xi32>
      %add3A_646 = arith.addi %xor3A_640, %add3A_645 : vector<16xi32>
      %select_n3A_647 = arith.select %lt3A_643, %add3A_646, %xor3A_640 : vector<16xi1>, vector<16xi32>
      %broadcast_in_dim3A_648 = vector.shape_cast %select_n3A_647 : vector<16xi32> to vector<16x1xi32>
      %gather3A_649 = vector.shape_cast %broadcast_in_dim3A_648 : vector<16x1xi32> to vector<16xi32>
      %gather3A_650 = tpu.dynamic_gather %mul3A_637[%gather3A_649] in [0] : vector<16xf32>, vector<16xi32> -> vector<16xf32>
      %add3A_651 = arith.addf %mul3A_637, %gather3A_650 : vector<16xf32>
      %xor3A_652 = arith.constant 2 : i32
      %xor3A_653 = vector.broadcast %xor3A_652 : i32 to vector<16xi32>
      %xor3A_654 = arith.xori %iota3A, %xor3A_653 : vector<16xi32>
      %lt3A_655 = arith.constant 0 : i32
      %lt3A_656 = vector.broadcast %lt3A_655 : i32 to vector<16xi32>
      %lt3A_657 = arith.cmpi slt, %xor3A_654, %lt3A_656 : vector<16xi32>
      %add3A_658 = arith.constant 16 : i32
      %add3A_659 = vector.broadcast %add3A_658 : i32 to vector<16xi32>
      %add3A_660 = arith.addi %xor3A_654, %add3A_659 : vector<16xi32>
      %select_n3A_661 = arith.select %lt3A_657, %add3A_660, %xor3A_654 : vector<16xi1>, vector<16xi32>
      %broadcast_in_dim3A_662 = vector.shape_cast %select_n3A_661 : vector<16xi32> to vector<16x1xi32>
      %gather3A_663 = vector.shape_cast %broadcast_in_dim3A_662 : vector<16x1xi32> to vector<16xi32>
      %gather3A_664 = tpu.dynamic_gather %add3A_651[%gather3A_663] in [0] : vector<16xf32>, vector<16xi32> -> vector<16xf32>
      %add3A_665 = arith.addf %add3A_651, %gather3A_664 : vector<16xf32>
      %xor3A_666 = arith.constant 4 : i32
      %xor3A_667 = vector.broadcast %xor3A_666 : i32 to vector<16xi32>
      %xor3A_668 = arith.xori %iota3A, %xor3A_667 : vector<16xi32>
      %lt3A_669 = arith.constant 0 : i32
      %lt3A_670 = vector.broadcast %lt3A_669 : i32 to vector<16xi32>
      %lt3A_671 = arith.cmpi slt, %xor3A_668, %lt3A_670 : vector<16xi32>
      %add3A_672 = arith.constant 16 : i32
      %add3A_673 = vector.broadcast %add3A_672 : i32 to vector<16xi32>
      %add3A_674 = arith.addi %xor3A_668, %add3A_673 : vector<16xi32>
      %select_n3A_675 = arith.select %lt3A_671, %add3A_674, %xor3A_668 : vector<16xi1>, vector<16xi32>
      %broadcast_in_dim3A_676 = vector.shape_cast %select_n3A_675 : vector<16xi32> to vector<16x1xi32>
      %gather3A_677 = vector.shape_cast %broadcast_in_dim3A_676 : vector<16x1xi32> to vector<16xi32>
      %gather3A_678 = tpu.dynamic_gather %add3A_665[%gather3A_677] in [0] : vector<16xf32>, vector<16xi32> -> vector<16xf32>
      %add3A_679 = arith.addf %add3A_665, %gather3A_678 : vector<16xf32>
      %xor3A_680 = arith.constant 8 : i32
      %xor3A_681 = vector.broadcast %xor3A_680 : i32 to vector<16xi32>
      %xor3A_682 = arith.xori %iota3A, %xor3A_681 : vector<16xi32>
      %lt3A_683 = arith.constant 0 : i32
      %lt3A_684 = vector.broadcast %lt3A_683 : i32 to vector<16xi32>
      %lt3A_685 = arith.cmpi slt, %xor3A_682, %lt3A_684 : vector<16xi32>
      %add3A_686 = arith.constant 16 : i32
      %add3A_687 = vector.broadcast %add3A_686 : i32 to vector<16xi32>
      %add3A_688 = arith.addi %xor3A_682, %add3A_687 : vector<16xi32>
      %select_n3A_689 = arith.select %lt3A_685, %add3A_688, %xor3A_682 : vector<16xi1>, vector<16xi32>
      %broadcast_in_dim3A_690 = vector.shape_cast %select_n3A_689 : vector<16xi32> to vector<16x1xi32>
      %gather3A_691 = vector.shape_cast %broadcast_in_dim3A_690 : vector<16x1xi32> to vector<16xi32>
      %gather3A_692 = tpu.dynamic_gather %add3A_679[%gather3A_691] in [0] : vector<16xf32>, vector<16xi32> -> vector<16xf32>
      %add3A_693 = arith.addf %add3A_679, %gather3A_692 : vector<16xf32>
      %eq3A_694 = arith.constant 6 : i32
      %eq3A_695 = vector.broadcast %eq3A_694 : i32 to vector<16xi32>
      %eq3A_696 = arith.cmpi eq, %iota3A, %eq3A_695 : vector<16xi32>
      %select_n3A_697 = arith.select %eq3A_696, %add3A_693, %select_n3A_624 : vector<16xi1>, vector<16xf32>
      %add3A_698 = arith.constant 7 : i32
      %add3A_699 = arith.addi %mul3A_191, %add3A_698 : i32
      %get3A_700 = arith.index_cast %add3A_699 : i32 to index
      %get3A_701 = arith.constant 0 : index
      %get3A_702 = tpu.vector_load %arg9[%get3A_700, %get3A_701] {strides = array<i32>} : memref<512x16xf32, #tpu.memory_space<vmem>>, vector<1x16xf32>,
      %get3A_703 = vector.shape_cast %get3A_702 : vector<1x16xf32> to vector<16xf32>
      %add3A_704 = arith.constant 7 : i32
      %add3A_705 = arith.addi %mul3A_191, %add3A_704 : i32
      %get3A_706 = arith.index_cast %add3A_705 : i32 to index
      %get3A_707 = arith.constant 0 : index
      %get3A_708 = tpu.vector_load %arg10[%get3A_706, %get3A_707] {strides = array<i32>} : memref<512x16xf32, #tpu.memory_space<vmem>>, vector<1x16xf32>,
      %get3A_709 = vector.shape_cast %get3A_708 : vector<1x16xf32> to vector<16xf32>
      %mul3A_710 = arith.mulf %get3A_703, %get3A_709 : vector<16xf32>
      %xor3A_711 = arith.constant 1 : i32
      %xor3A_712 = vector.broadcast %xor3A_711 : i32 to vector<16xi32>
      %xor3A_713 = arith.xori %iota3A, %xor3A_712 : vector<16xi32>
      %lt3A_714 = arith.constant 0 : i32
      %lt3A_715 = vector.broadcast %lt3A_714 : i32 to vector<16xi32>
      %lt3A_716 = arith.cmpi slt, %xor3A_713, %lt3A_715 : vector<16xi32>
      %add3A_717 = arith.constant 16 : i32
      %add3A_718 = vector.broadcast %add3A_717 : i32 to vector<16xi32>
      %add3A_719 = arith.addi %xor3A_713, %add3A_718 : vector<16xi32>
      %select_n3A_720 = arith.select %lt3A_716, %add3A_719, %xor3A_713 : vector<16xi1>, vector<16xi32>
      %broadcast_in_dim3A_721 = vector.shape_cast %select_n3A_720 : vector<16xi32> to vector<16x1xi32>
      %gather3A_722 = vector.shape_cast %broadcast_in_dim3A_721 : vector<16x1xi32> to vector<16xi32>
      %gather3A_723 = tpu.dynamic_gather %mul3A_710[%gather3A_722] in [0] : vector<16xf32>, vector<16xi32> -> vector<16xf32>
      %add3A_724 = arith.addf %mul3A_710, %gather3A_723 : vector<16xf32>
      %xor3A_725 = arith.constant 2 : i32
      %xor3A_726 = vector.broadcast %xor3A_725 : i32 to vector<16xi32>
      %xor3A_727 = arith.xori %iota3A, %xor3A_726 : vector<16xi32>
      %lt3A_728 = arith.constant 0 : i32
      %lt3A_729 = vector.broadcast %lt3A_728 : i32 to vector<16xi32>
      %lt3A_730 = arith.cmpi slt, %xor3A_727, %lt3A_729 : vector<16xi32>
      %add3A_731 = arith.constant 16 : i32
      %add3A_732 = vector.broadcast %add3A_731 : i32 to vector<16xi32>
      %add3A_733 = arith.addi %xor3A_727, %add3A_732 : vector<16xi32>
      %select_n3A_734 = arith.select %lt3A_730, %add3A_733, %xor3A_727 : vector<16xi1>, vector<16xi32>
      %broadcast_in_dim3A_735 = vector.shape_cast %select_n3A_734 : vector<16xi32> to vector<16x1xi32>
      %gather3A_736 = vector.shape_cast %broadcast_in_dim3A_735 : vector<16x1xi32> to vector<16xi32>
      %gather3A_737 = tpu.dynamic_gather %add3A_724[%gather3A_736] in [0] : vector<16xf32>, vector<16xi32> -> vector<16xf32>
      %add3A_738 = arith.addf %add3A_724, %gather3A_737 : vector<16xf32>
      %xor3A_739 = arith.constant 4 : i32
      %xor3A_740 = vector.broadcast %xor3A_739 : i32 to vector<16xi32>
      %xor3A_741 = arith.xori %iota3A, %xor3A_740 : vector<16xi32>
      %lt3A_742 = arith.constant 0 : i32
      %lt3A_743 = vector.broadcast %lt3A_742 : i32 to vector<16xi32>
      %lt3A_744 = arith.cmpi slt, %xor3A_741, %lt3A_743 : vector<16xi32>
      %add3A_745 = arith.constant 16 : i32
      %add3A_746 = vector.broadcast %add3A_745 : i32 to vector<16xi32>
      %add3A_747 = arith.addi %xor3A_741, %add3A_746 : vector<16xi32>
      %select_n3A_748 = arith.select %lt3A_744, %add3A_747, %xor3A_741 : vector<16xi1>, vector<16xi32>
      %broadcast_in_dim3A_749 = vector.shape_cast %select_n3A_748 : vector<16xi32> to vector<16x1xi32>
      %gather3A_750 = vector.shape_cast %broadcast_in_dim3A_749 : vector<16x1xi32> to vector<16xi32>
      %gather3A_751 = tpu.dynamic_gather %add3A_738[%gather3A_750] in [0] : vector<16xf32>, vector<16xi32> -> vector<16xf32>
      %add3A_752 = arith.addf %add3A_738, %gather3A_751 : vector<16xf32>
      %xor3A_753 = arith.constant 8 : i32
      %xor3A_754 = vector.broadcast %xor3A_753 : i32 to vector<16xi32>
      %xor3A_755 = arith.xori %iota3A, %xor3A_754 : vector<16xi32>
      %lt3A_756 = arith.constant 0 : i32
      %lt3A_757 = vector.broadcast %lt3A_756 : i32 to vector<16xi32>
      %lt3A_758 = arith.cmpi slt, %xor3A_755, %lt3A_757 : vector<16xi32>
      %add3A_759 = arith.constant 16 : i32
      %add3A_760 = vector.broadcast %add3A_759 : i32 to vector<16xi32>
      %add3A_761 = arith.addi %xor3A_755, %add3A_760 : vector<16xi32>
      %select_n3A_762 = arith.select %lt3A_758, %add3A_761, %xor3A_755 : vector<16xi1>, vector<16xi32>
      %broadcast_in_dim3A_763 = vector.shape_cast %select_n3A_762 : vector<16xi32> to vector<16x1xi32>
      %gather3A_764 = vector.shape_cast %broadcast_in_dim3A_763 : vector<16x1xi32> to vector<16xi32>
      %gather3A_765 = tpu.dynamic_gather %add3A_752[%gather3A_764] in [0] : vector<16xf32>, vector<16xi32> -> vector<16xf32>
      %add3A_766 = arith.addf %add3A_752, %gather3A_765 : vector<16xf32>
      %eq3A_767 = arith.constant 7 : i32
      %eq3A_768 = vector.broadcast %eq3A_767 : i32 to vector<16xi32>
      %eq3A_769 = arith.cmpi eq, %iota3A, %eq3A_768 : vector<16xi32>
      %select_n3A_770 = arith.select %eq3A_769, %add3A_766, %select_n3A_697 : vector<16xi1>, vector<16xf32>
      %add3A_771 = arith.constant 8 : i32
      %add3A_772 = arith.addi %mul3A_191, %add3A_771 : i32
      %get3A_773 = arith.index_cast %add3A_772 : i32 to index
      %get3A_774 = arith.constant 0 : index
      %get3A_775 = tpu.vector_load %arg9[%get3A_773, %get3A_774] {strides = array<i32>} : memref<512x16xf32, #tpu.memory_space<vmem>>, vector<1x16xf32>,
      %get3A_776 = vector.shape_cast %get3A_775 : vector<1x16xf32> to vector<16xf32>
      %add3A_777 = arith.constant 8 : i32
      %add3A_778 = arith.addi %mul3A_191, %add3A_777 : i32
      %get3A_779 = arith.index_cast %add3A_778 : i32 to index
      %get3A_780 = arith.constant 0 : index
      %get3A_781 = tpu.vector_load %arg10[%get3A_779, %get3A_780] {strides = array<i32>} : memref<512x16xf32, #tpu.memory_space<vmem>>, vector<1x16xf32>,
      %get3A_782 = vector.shape_cast %get3A_781 : vector<1x16xf32> to vector<16xf32>
      %mul3A_783 = arith.mulf %get3A_776, %get3A_782 : vector<16xf32>
      %xor3A_784 = arith.constant 1 : i32
      %xor3A_785 = vector.broadcast %xor3A_784 : i32 to vector<16xi32>
      %xor3A_786 = arith.xori %iota3A, %xor3A_785 : vector<16xi32>
      %lt3A_787 = arith.constant 0 : i32
      %lt3A_788 = vector.broadcast %lt3A_787 : i32 to vector<16xi32>
      %lt3A_789 = arith.cmpi slt, %xor3A_786, %lt3A_788 : vector<16xi32>
      %add3A_790 = arith.constant 16 : i32
      %add3A_791 = vector.broadcast %add3A_790 : i32 to vector<16xi32>
      %add3A_792 = arith.addi %xor3A_786, %add3A_791 : vector<16xi32>
      %select_n3A_793 = arith.select %lt3A_789, %add3A_792, %xor3A_786 : vector<16xi1>, vector<16xi32>
      %broadcast_in_dim3A_794 = vector.shape_cast %select_n3A_793 : vector<16xi32> to vector<16x1xi32>
      %gather3A_795 = vector.shape_cast %broadcast_in_dim3A_794 : vector<16x1xi32> to vector<16xi32>
      %gather3A_796 = tpu.dynamic_gather %mul3A_783[%gather3A_795] in [0] : vector<16xf32>, vector<16xi32> -> vector<16xf32>
      %add3A_797 = arith.addf %mul3A_783, %gather3A_796 : vector<16xf32>
      %xor3A_798 = arith.constant 2 : i32
      %xor3A_799 = vector.broadcast %xor3A_798 : i32 to vector<16xi32>
      %xor3A_800 = arith.xori %iota3A, %xor3A_799 : vector<16xi32>
      %lt3A_801 = arith.constant 0 : i32
      %lt3A_802 = vector.broadcast %lt3A_801 : i32 to vector<16xi32>
      %lt3A_803 = arith.cmpi slt, %xor3A_800, %lt3A_802 : vector<16xi32>
      %add3A_804 = arith.constant 16 : i32
      %add3A_805 = vector.broadcast %add3A_804 : i32 to vector<16xi32>
      %add3A_806 = arith.addi %xor3A_800, %add3A_805 : vector<16xi32>
      %select_n3A_807 = arith.select %lt3A_803, %add3A_806, %xor3A_800 : vector<16xi1>, vector<16xi32>
      %broadcast_in_dim3A_808 = vector.shape_cast %select_n3A_807 : vector<16xi32> to vector<16x1xi32>
      %gather3A_809 = vector.shape_cast %broadcast_in_dim3A_808 : vector<16x1xi32> to vector<16xi32>
      %gather3A_810 = tpu.dynamic_gather %add3A_797[%gather3A_809] in [0] : vector<16xf32>, vector<16xi32> -> vector<16xf32>
      %add3A_811 = arith.addf %add3A_797, %gather3A_810 : vector<16xf32>
      %xor3A_812 = arith.constant 4 : i32
      %xor3A_813 = vector.broadcast %xor3A_812 : i32 to vector<16xi32>
      %xor3A_814 = arith.xori %iota3A, %xor3A_813 : vector<16xi32>
      %lt3A_815 = arith.constant 0 : i32
      %lt3A_816 = vector.broadcast %lt3A_815 : i32 to vector<16xi32>
      %lt3A_817 = arith.cmpi slt, %xor3A_814, %lt3A_816 : vector<16xi32>
      %add3A_818 = arith.constant 16 : i32
      %add3A_819 = vector.broadcast %add3A_818 : i32 to vector<16xi32>
      %add3A_820 = arith.addi %xor3A_814, %add3A_819 : vector<16xi32>
      %select_n3A_821 = arith.select %lt3A_817, %add3A_820, %xor3A_814 : vector<16xi1>, vector<16xi32>
      %broadcast_in_dim3A_822 = vector.shape_cast %select_n3A_821 : vector<16xi32> to vector<16x1xi32>
      %gather3A_823 = vector.shape_cast %broadcast_in_dim3A_822 : vector<16x1xi32> to vector<16xi32>
      %gather3A_824 = tpu.dynamic_gather %add3A_811[%gather3A_823] in [0] : vector<16xf32>, vector<16xi32> -> vector<16xf32>
      %add3A_825 = arith.addf %add3A_811, %gather3A_824 : vector<16xf32>
      %xor3A_826 = arith.constant 8 : i32
      %xor3A_827 = vector.broadcast %xor3A_826 : i32 to vector<16xi32>
      %xor3A_828 = arith.xori %iota3A, %xor3A_827 : vector<16xi32>
      %lt3A_829 = arith.constant 0 : i32
      %lt3A_830 = vector.broadcast %lt3A_829 : i32 to vector<16xi32>
      %lt3A_831 = arith.cmpi slt, %xor3A_828, %lt3A_830 : vector<16xi32>
      %add3A_832 = arith.constant 16 : i32
      %add3A_833 = vector.broadcast %add3A_832 : i32 to vector<16xi32>
      %add3A_834 = arith.addi %xor3A_828, %add3A_833 : vector<16xi32>
      %select_n3A_835 = arith.select %lt3A_831, %add3A_834, %xor3A_828 : vector<16xi1>, vector<16xi32>
      %broadcast_in_dim3A_836 = vector.shape_cast %select_n3A_835 : vector<16xi32> to vector<16x1xi32>
      %gather3A_837 = vector.shape_cast %broadcast_in_dim3A_836 : vector<16x1xi32> to vector<16xi32>
      %gather3A_838 = tpu.dynamic_gather %add3A_825[%gather3A_837] in [0] : vector<16xf32>, vector<16xi32> -> vector<16xf32>
      %add3A_839 = arith.addf %add3A_825, %gather3A_838 : vector<16xf32>
      %eq3A_840 = arith.constant 8 : i32
      %eq3A_841 = vector.broadcast %eq3A_840 : i32 to vector<16xi32>
      %eq3A_842 = arith.cmpi eq, %iota3A, %eq3A_841 : vector<16xi32>
      %select_n3A_843 = arith.select %eq3A_842, %add3A_839, %select_n3A_770 : vector<16xi1>, vector<16xf32>
      %add3A_844 = arith.constant 9 : i32
      %add3A_845 = arith.addi %mul3A_191, %add3A_844 : i32
      %get3A_846 = arith.index_cast %add3A_845 : i32 to index
      %get3A_847 = arith.constant 0 : index
      %get3A_848 = tpu.vector_load %arg9[%get3A_846, %get3A_847] {strides = array<i32>} : memref<512x16xf32, #tpu.memory_space<vmem>>, vector<1x16xf32>,
      %get3A_849 = vector.shape_cast %get3A_848 : vector<1x16xf32> to vector<16xf32>
      %add3A_850 = arith.constant 9 : i32
      %add3A_851 = arith.addi %mul3A_191, %add3A_850 : i32
      %get3A_852 = arith.index_cast %add3A_851 : i32 to index
      %get3A_853 = arith.constant 0 : index
      %get3A_854 = tpu.vector_load %arg10[%get3A_852, %get3A_853] {strides = array<i32>} : memref<512x16xf32, #tpu.memory_space<vmem>>, vector<1x16xf32>,
      %get3A_855 = vector.shape_cast %get3A_854 : vector<1x16xf32> to vector<16xf32>
      %mul3A_856 = arith.mulf %get3A_849, %get3A_855 : vector<16xf32>
      %xor3A_857 = arith.constant 1 : i32
      %xor3A_858 = vector.broadcast %xor3A_857 : i32 to vector<16xi32>
      %xor3A_859 = arith.xori %iota3A, %xor3A_858 : vector<16xi32>
      %lt3A_860 = arith.constant 0 : i32
      %lt3A_861 = vector.broadcast %lt3A_860 : i32 to vector<16xi32>
      %lt3A_862 = arith.cmpi slt, %xor3A_859, %lt3A_861 : vector<16xi32>
      %add3A_863 = arith.constant 16 : i32
      %add3A_864 = vector.broadcast %add3A_863 : i32 to vector<16xi32>
      %add3A_865 = arith.addi %xor3A_859, %add3A_864 : vector<16xi32>
      %select_n3A_866 = arith.select %lt3A_862, %add3A_865, %xor3A_859 : vector<16xi1>, vector<16xi32>
      %broadcast_in_dim3A_867 = vector.shape_cast %select_n3A_866 : vector<16xi32> to vector<16x1xi32>
      %gather3A_868 = vector.shape_cast %broadcast_in_dim3A_867 : vector<16x1xi32> to vector<16xi32>
      %gather3A_869 = tpu.dynamic_gather %mul3A_856[%gather3A_868] in [0] : vector<16xf32>, vector<16xi32> -> vector<16xf32>
      %add3A_870 = arith.addf %mul3A_856, %gather3A_869 : vector<16xf32>
      %xor3A_871 = arith.constant 2 : i32
      %xor3A_872 = vector.broadcast %xor3A_871 : i32 to vector<16xi32>
      %xor3A_873 = arith.xori %iota3A, %xor3A_872 : vector<16xi32>
      %lt3A_874 = arith.constant 0 : i32
      %lt3A_875 = vector.broadcast %lt3A_874 : i32 to vector<16xi32>
      %lt3A_876 = arith.cmpi slt, %xor3A_873, %lt3A_875 : vector<16xi32>
      %add3A_877 = arith.constant 16 : i32
      %add3A_878 = vector.broadcast %add3A_877 : i32 to vector<16xi32>
      %add3A_879 = arith.addi %xor3A_873, %add3A_878 : vector<16xi32>
      %select_n3A_880 = arith.select %lt3A_876, %add3A_879, %xor3A_873 : vector<16xi1>, vector<16xi32>
      %broadcast_in_dim3A_881 = vector.shape_cast %select_n3A_880 : vector<16xi32> to vector<16x1xi32>
      %gather3A_882 = vector.shape_cast %broadcast_in_dim3A_881 : vector<16x1xi32> to vector<16xi32>
      %gather3A_883 = tpu.dynamic_gather %add3A_870[%gather3A_882] in [0] : vector<16xf32>, vector<16xi32> -> vector<16xf32>
      %add3A_884 = arith.addf %add3A_870, %gather3A_883 : vector<16xf32>
      %xor3A_885 = arith.constant 4 : i32
      %xor3A_886 = vector.broadcast %xor3A_885 : i32 to vector<16xi32>
      %xor3A_887 = arith.xori %iota3A, %xor3A_886 : vector<16xi32>
      %lt3A_888 = arith.constant 0 : i32
      %lt3A_889 = vector.broadcast %lt3A_888 : i32 to vector<16xi32>
      %lt3A_890 = arith.cmpi slt, %xor3A_887, %lt3A_889 : vector<16xi32>
      %add3A_891 = arith.constant 16 : i32
      %add3A_892 = vector.broadcast %add3A_891 : i32 to vector<16xi32>
      %add3A_893 = arith.addi %xor3A_887, %add3A_892 : vector<16xi32>
      %select_n3A_894 = arith.select %lt3A_890, %add3A_893, %xor3A_887 : vector<16xi1>, vector<16xi32>
      %broadcast_in_dim3A_895 = vector.shape_cast %select_n3A_894 : vector<16xi32> to vector<16x1xi32>
      %gather3A_896 = vector.shape_cast %broadcast_in_dim3A_895 : vector<16x1xi32> to vector<16xi32>
      %gather3A_897 = tpu.dynamic_gather %add3A_884[%gather3A_896] in [0] : vector<16xf32>, vector<16xi32> -> vector<16xf32>
      %add3A_898 = arith.addf %add3A_884, %gather3A_897 : vector<16xf32>
      %xor3A_899 = arith.constant 8 : i32
      %xor3A_900 = vector.broadcast %xor3A_899 : i32 to vector<16xi32>
      %xor3A_901 = arith.xori %iota3A, %xor3A_900 : vector<16xi32>
      %lt3A_902 = arith.constant 0 : i32
      %lt3A_903 = vector.broadcast %lt3A_902 : i32 to vector<16xi32>
      %lt3A_904 = arith.cmpi slt, %xor3A_901, %lt3A_903 : vector<16xi32>
      %add3A_905 = arith.constant 16 : i32
      %add3A_906 = vector.broadcast %add3A_905 : i32 to vector<16xi32>
      %add3A_907 = arith.addi %xor3A_901, %add3A_906 : vector<16xi32>
      %select_n3A_908 = arith.select %lt3A_904, %add3A_907, %xor3A_901 : vector<16xi1>, vector<16xi32>
      %broadcast_in_dim3A_909 = vector.shape_cast %select_n3A_908 : vector<16xi32> to vector<16x1xi32>
      %gather3A_910 = vector.shape_cast %broadcast_in_dim3A_909 : vector<16x1xi32> to vector<16xi32>
      %gather3A_911 = tpu.dynamic_gather %add3A_898[%gather3A_910] in [0] : vector<16xf32>, vector<16xi32> -> vector<16xf32>
      %add3A_912 = arith.addf %add3A_898, %gather3A_911 : vector<16xf32>
      %eq3A_913 = arith.constant 9 : i32
      %eq3A_914 = vector.broadcast %eq3A_913 : i32 to vector<16xi32>
      %eq3A_915 = arith.cmpi eq, %iota3A, %eq3A_914 : vector<16xi32>
      %select_n3A_916 = arith.select %eq3A_915, %add3A_912, %select_n3A_843 : vector<16xi1>, vector<16xf32>
      %add3A_917 = arith.constant 10 : i32
      %add3A_918 = arith.addi %mul3A_191, %add3A_917 : i32
      %get3A_919 = arith.index_cast %add3A_918 : i32 to index
      %get3A_920 = arith.constant 0 : index
      %get3A_921 = tpu.vector_load %arg9[%get3A_919, %get3A_920] {strides = array<i32>} : memref<512x16xf32, #tpu.memory_space<vmem>>, vector<1x16xf32>,
      %get3A_922 = vector.shape_cast %get3A_921 : vector<1x16xf32> to vector<16xf32>
      %add3A_923 = arith.constant 10 : i32
      %add3A_924 = arith.addi %mul3A_191, %add3A_923 : i32
      %get3A_925 = arith.index_cast %add3A_924 : i32 to index
      %get3A_926 = arith.constant 0 : index
      %get3A_927 = tpu.vector_load %arg10[%get3A_925, %get3A_926] {strides = array<i32>} : memref<512x16xf32, #tpu.memory_space<vmem>>, vector<1x16xf32>,
      %get3A_928 = vector.shape_cast %get3A_927 : vector<1x16xf32> to vector<16xf32>
      %mul3A_929 = arith.mulf %get3A_922, %get3A_928 : vector<16xf32>
      %xor3A_930 = arith.constant 1 : i32
      %xor3A_931 = vector.broadcast %xor3A_930 : i32 to vector<16xi32>
      %xor3A_932 = arith.xori %iota3A, %xor3A_931 : vector<16xi32>
      %lt3A_933 = arith.constant 0 : i32
      %lt3A_934 = vector.broadcast %lt3A_933 : i32 to vector<16xi32>
      %lt3A_935 = arith.cmpi slt, %xor3A_932, %lt3A_934 : vector<16xi32>
      %add3A_936 = arith.constant 16 : i32
      %add3A_937 = vector.broadcast %add3A_936 : i32 to vector<16xi32>
      %add3A_938 = arith.addi %xor3A_932, %add3A_937 : vector<16xi32>
      %select_n3A_939 = arith.select %lt3A_935, %add3A_938, %xor3A_932 : vector<16xi1>, vector<16xi32>
      %broadcast_in_dim3A_940 = vector.shape_cast %select_n3A_939 : vector<16xi32> to vector<16x1xi32>
      %gather3A_941 = vector.shape_cast %broadcast_in_dim3A_940 : vector<16x1xi32> to vector<16xi32>
      %gather3A_942 = tpu.dynamic_gather %mul3A_929[%gather3A_941] in [0] : vector<16xf32>, vector<16xi32> -> vector<16xf32>
      %add3A_943 = arith.addf %mul3A_929, %gather3A_942 : vector<16xf32>
      %xor3A_944 = arith.constant 2 : i32
      %xor3A_945 = vector.broadcast %xor3A_944 : i32 to vector<16xi32>
      %xor3A_946 = arith.xori %iota3A, %xor3A_945 : vector<16xi32>
      %lt3A_947 = arith.constant 0 : i32
      %lt3A_948 = vector.broadcast %lt3A_947 : i32 to vector<16xi32>
      %lt3A_949 = arith.cmpi slt, %xor3A_946, %lt3A_948 : vector<16xi32>
      %add3A_950 = arith.constant 16 : i32
      %add3A_951 = vector.broadcast %add3A_950 : i32 to vector<16xi32>
      %add3A_952 = arith.addi %xor3A_946, %add3A_951 : vector<16xi32>
      %select_n3A_953 = arith.select %lt3A_949, %add3A_952, %xor3A_946 : vector<16xi1>, vector<16xi32>
      %broadcast_in_dim3A_954 = vector.shape_cast %select_n3A_953 : vector<16xi32> to vector<16x1xi32>
      %gather3A_955 = vector.shape_cast %broadcast_in_dim3A_954 : vector<16x1xi32> to vector<16xi32>
      %gather3A_956 = tpu.dynamic_gather %add3A_943[%gather3A_955] in [0] : vector<16xf32>, vector<16xi32> -> vector<16xf32>
      %add3A_957 = arith.addf %add3A_943, %gather3A_956 : vector<16xf32>
      %xor3A_958 = arith.constant 4 : i32
      %xor3A_959 = vector.broadcast %xor3A_958 : i32 to vector<16xi32>
      %xor3A_960 = arith.xori %iota3A, %xor3A_959 : vector<16xi32>
      %lt3A_961 = arith.constant 0 : i32
      %lt3A_962 = vector.broadcast %lt3A_961 : i32 to vector<16xi32>
      %lt3A_963 = arith.cmpi slt, %xor3A_960, %lt3A_962 : vector<16xi32>
      %add3A_964 = arith.constant 16 : i32
      %add3A_965 = vector.broadcast %add3A_964 : i32 to vector<16xi32>
      %add3A_966 = arith.addi %xor3A_960, %add3A_965 : vector<16xi32>
      %select_n3A_967 = arith.select %lt3A_963, %add3A_966, %xor3A_960 : vector<16xi1>, vector<16xi32>
      %broadcast_in_dim3A_968 = vector.shape_cast %select_n3A_967 : vector<16xi32> to vector<16x1xi32>
      %gather3A_969 = vector.shape_cast %broadcast_in_dim3A_968 : vector<16x1xi32> to vector<16xi32>
      %gather3A_970 = tpu.dynamic_gather %add3A_957[%gather3A_969] in [0] : vector<16xf32>, vector<16xi32> -> vector<16xf32>
      %add3A_971 = arith.addf %add3A_957, %gather3A_970 : vector<16xf32>
      %xor3A_972 = arith.constant 8 : i32
      %xor3A_973 = vector.broadcast %xor3A_972 : i32 to vector<16xi32>
      %xor3A_974 = arith.xori %iota3A, %xor3A_973 : vector<16xi32>
      %lt3A_975 = arith.constant 0 : i32
      %lt3A_976 = vector.broadcast %lt3A_975 : i32 to vector<16xi32>
      %lt3A_977 = arith.cmpi slt, %xor3A_974, %lt3A_976 : vector<16xi32>
      %add3A_978 = arith.constant 16 : i32
      %add3A_979 = vector.broadcast %add3A_978 : i32 to vector<16xi32>
      %add3A_980 = arith.addi %xor3A_974, %add3A_979 : vector<16xi32>
      %select_n3A_981 = arith.select %lt3A_977, %add3A_980, %xor3A_974 : vector<16xi1>, vector<16xi32>
      %broadcast_in_dim3A_982 = vector.shape_cast %select_n3A_981 : vector<16xi32> to vector<16x1xi32>
      %gather3A_983 = vector.shape_cast %broadcast_in_dim3A_982 : vector<16x1xi32> to vector<16xi32>
      %gather3A_984 = tpu.dynamic_gather %add3A_971[%gather3A_983] in [0] : vector<16xf32>, vector<16xi32> -> vector<16xf32>
      %add3A_985 = arith.addf %add3A_971, %gather3A_984 : vector<16xf32>
      %eq3A_986 = arith.constant 10 : i32
      %eq3A_987 = vector.broadcast %eq3A_986 : i32 to vector<16xi32>
      %eq3A_988 = arith.cmpi eq, %iota3A, %eq3A_987 : vector<16xi32>
      %select_n3A_989 = arith.select %eq3A_988, %add3A_985, %select_n3A_916 : vector<16xi1>, vector<16xf32>
      %add3A_990 = arith.constant 11 : i32
      %add3A_991 = arith.addi %mul3A_191, %add3A_990 : i32
      %get3A_992 = arith.index_cast %add3A_991 : i32 to index
      %get3A_993 = arith.constant 0 : index
      %get3A_994 = tpu.vector_load %arg9[%get3A_992, %get3A_993] {strides = array<i32>} : memref<512x16xf32, #tpu.memory_space<vmem>>, vector<1x16xf32>,
      %get3A_995 = vector.shape_cast %get3A_994 : vector<1x16xf32> to vector<16xf32>
      %add3A_996 = arith.constant 11 : i32
      %add3A_997 = arith.addi %mul3A_191, %add3A_996 : i32
      %get3A_998 = arith.index_cast %add3A_997 : i32 to index
      %get3A_999 = arith.constant 0 : index
      %get3A_1000 = tpu.vector_load %arg10[%get3A_998, %get3A_999] {strides = array<i32>} : memref<512x16xf32, #tpu.memory_space<vmem>>, vector<1x16xf32>,
      %get3A_1001 = vector.shape_cast %get3A_1000 : vector<1x16xf32> to vector<16xf32>
      %mul3A_1002 = arith.mulf %get3A_995, %get3A_1001 : vector<16xf32>
      %xor3A_1003 = arith.constant 1 : i32
      %xor3A_1004 = vector.broadcast %xor3A_1003 : i32 to vector<16xi32>
      %xor3A_1005 = arith.xori %iota3A, %xor3A_1004 : vector<16xi32>
      %lt3A_1006 = arith.constant 0 : i32
      %lt3A_1007 = vector.broadcast %lt3A_1006 : i32 to vector<16xi32>
      %lt3A_1008 = arith.cmpi slt, %xor3A_1005, %lt3A_1007 : vector<16xi32>
      %add3A_1009 = arith.constant 16 : i32
      %add3A_1010 = vector.broadcast %add3A_1009 : i32 to vector<16xi32>
      %add3A_1011 = arith.addi %xor3A_1005, %add3A_1010 : vector<16xi32>
      %select_n3A_1012 = arith.select %lt3A_1008, %add3A_1011, %xor3A_1005 : vector<16xi1>, vector<16xi32>
      %broadcast_in_dim3A_1013 = vector.shape_cast %select_n3A_1012 : vector<16xi32> to vector<16x1xi32>
      %gather3A_1014 = vector.shape_cast %broadcast_in_dim3A_1013 : vector<16x1xi32> to vector<16xi32>
      %gather3A_1015 = tpu.dynamic_gather %mul3A_1002[%gather3A_1014] in [0] : vector<16xf32>, vector<16xi32> -> vector<16xf32>
      %add3A_1016 = arith.addf %mul3A_1002, %gather3A_1015 : vector<16xf32>
      %xor3A_1017 = arith.constant 2 : i32
      %xor3A_1018 = vector.broadcast %xor3A_1017 : i32 to vector<16xi32>
      %xor3A_1019 = arith.xori %iota3A, %xor3A_1018 : vector<16xi32>
      %lt3A_1020 = arith.constant 0 : i32
      %lt3A_1021 = vector.broadcast %lt3A_1020 : i32 to vector<16xi32>
      %lt3A_1022 = arith.cmpi slt, %xor3A_1019, %lt3A_1021 : vector<16xi32>
      %add3A_1023 = arith.constant 16 : i32
      %add3A_1024 = vector.broadcast %add3A_1023 : i32 to vector<16xi32>
      %add3A_1025 = arith.addi %xor3A_1019, %add3A_1024 : vector<16xi32>
      %select_n3A_1026 = arith.select %lt3A_1022, %add3A_1025, %xor3A_1019 : vector<16xi1>, vector<16xi32>
      %broadcast_in_dim3A_1027 = vector.shape_cast %select_n3A_1026 : vector<16xi32> to vector<16x1xi32>
      %gather3A_1028 = vector.shape_cast %broadcast_in_dim3A_1027 : vector<16x1xi32> to vector<16xi32>
      %gather3A_1029 = tpu.dynamic_gather %add3A_1016[%gather3A_1028] in [0] : vector<16xf32>, vector<16xi32> -> vector<16xf32>
      %add3A_1030 = arith.addf %add3A_1016, %gather3A_1029 : vector<16xf32>
      %xor3A_1031 = arith.constant 4 : i32
      %xor3A_1032 = vector.broadcast %xor3A_1031 : i32 to vector<16xi32>
      %xor3A_1033 = arith.xori %iota3A, %xor3A_1032 : vector<16xi32>
      %lt3A_1034 = arith.constant 0 : i32
      %lt3A_1035 = vector.broadcast %lt3A_1034 : i32 to vector<16xi32>
      %lt3A_1036 = arith.cmpi slt, %xor3A_1033, %lt3A_1035 : vector<16xi32>
      %add3A_1037 = arith.constant 16 : i32
      %add3A_1038 = vector.broadcast %add3A_1037 : i32 to vector<16xi32>
      %add3A_1039 = arith.addi %xor3A_1033, %add3A_1038 : vector<16xi32>
      %select_n3A_1040 = arith.select %lt3A_1036, %add3A_1039, %xor3A_1033 : vector<16xi1>, vector<16xi32>
      %broadcast_in_dim3A_1041 = vector.shape_cast %select_n3A_1040 : vector<16xi32> to vector<16x1xi32>
      %gather3A_1042 = vector.shape_cast %broadcast_in_dim3A_1041 : vector<16x1xi32> to vector<16xi32>
      %gather3A_1043 = tpu.dynamic_gather %add3A_1030[%gather3A_1042] in [0] : vector<16xf32>, vector<16xi32> -> vector<16xf32>
      %add3A_1044 = arith.addf %add3A_1030, %gather3A_1043 : vector<16xf32>
      %xor3A_1045 = arith.constant 8 : i32
      %xor3A_1046 = vector.broadcast %xor3A_1045 : i32 to vector<16xi32>
      %xor3A_1047 = arith.xori %iota3A, %xor3A_1046 : vector<16xi32>
      %lt3A_1048 = arith.constant 0 : i32
      %lt3A_1049 = vector.broadcast %lt3A_1048 : i32 to vector<16xi32>
      %lt3A_1050 = arith.cmpi slt, %xor3A_1047, %lt3A_1049 : vector<16xi32>
      %add3A_1051 = arith.constant 16 : i32
      %add3A_1052 = vector.broadcast %add3A_1051 : i32 to vector<16xi32>
      %add3A_1053 = arith.addi %xor3A_1047, %add3A_1052 : vector<16xi32>
      %select_n3A_1054 = arith.select %lt3A_1050, %add3A_1053, %xor3A_1047 : vector<16xi1>, vector<16xi32>
      %broadcast_in_dim3A_1055 = vector.shape_cast %select_n3A_1054 : vector<16xi32> to vector<16x1xi32>
      %gather3A_1056 = vector.shape_cast %broadcast_in_dim3A_1055 : vector<16x1xi32> to vector<16xi32>
      %gather3A_1057 = tpu.dynamic_gather %add3A_1044[%gather3A_1056] in [0] : vector<16xf32>, vector<16xi32> -> vector<16xf32>
      %add3A_1058 = arith.addf %add3A_1044, %gather3A_1057 : vector<16xf32>
      %eq3A_1059 = arith.constant 11 : i32
      %eq3A_1060 = vector.broadcast %eq3A_1059 : i32 to vector<16xi32>
      %eq3A_1061 = arith.cmpi eq, %iota3A, %eq3A_1060 : vector<16xi32>
      %select_n3A_1062 = arith.select %eq3A_1061, %add3A_1058, %select_n3A_989 : vector<16xi1>, vector<16xf32>
      %add3A_1063 = arith.constant 12 : i32
      %add3A_1064 = arith.addi %mul3A_191, %add3A_1063 : i32
      %get3A_1065 = arith.index_cast %add3A_1064 : i32 to index
      %get3A_1066 = arith.constant 0 : index
      %get3A_1067 = tpu.vector_load %arg9[%get3A_1065, %get3A_1066] {strides = array<i32>} : memref<512x16xf32, #tpu.memory_space<vmem>>, vector<1x16xf32>,
      %get3A_1068 = vector.shape_cast %get3A_1067 : vector<1x16xf32> to vector<16xf32>
      %add3A_1069 = arith.constant 12 : i32
      %add3A_1070 = arith.addi %mul3A_191, %add3A_1069 : i32
      %get3A_1071 = arith.index_cast %add3A_1070 : i32 to index
      %get3A_1072 = arith.constant 0 : index
      %get3A_1073 = tpu.vector_load %arg10[%get3A_1071, %get3A_1072] {strides = array<i32>} : memref<512x16xf32, #tpu.memory_space<vmem>>, vector<1x16xf32>,
      %get3A_1074 = vector.shape_cast %get3A_1073 : vector<1x16xf32> to vector<16xf32>
      %mul3A_1075 = arith.mulf %get3A_1068, %get3A_1074 : vector<16xf32>
      %xor3A_1076 = arith.constant 1 : i32
      %xor3A_1077 = vector.broadcast %xor3A_1076 : i32 to vector<16xi32>
      %xor3A_1078 = arith.xori %iota3A, %xor3A_1077 : vector<16xi32>
      %lt3A_1079 = arith.constant 0 : i32
      %lt3A_1080 = vector.broadcast %lt3A_1079 : i32 to vector<16xi32>
      %lt3A_1081 = arith.cmpi slt, %xor3A_1078, %lt3A_1080 : vector<16xi32>
      %add3A_1082 = arith.constant 16 : i32
      %add3A_1083 = vector.broadcast %add3A_1082 : i32 to vector<16xi32>
      %add3A_1084 = arith.addi %xor3A_1078, %add3A_1083 : vector<16xi32>
      %select_n3A_1085 = arith.select %lt3A_1081, %add3A_1084, %xor3A_1078 : vector<16xi1>, vector<16xi32>
      %broadcast_in_dim3A_1086 = vector.shape_cast %select_n3A_1085 : vector<16xi32> to vector<16x1xi32>
      %gather3A_1087 = vector.shape_cast %broadcast_in_dim3A_1086 : vector<16x1xi32> to vector<16xi32>
      %gather3A_1088 = tpu.dynamic_gather %mul3A_1075[%gather3A_1087] in [0] : vector<16xf32>, vector<16xi32> -> vector<16xf32>
      %add3A_1089 = arith.addf %mul3A_1075, %gather3A_1088 : vector<16xf32>
      %xor3A_1090 = arith.constant 2 : i32
      %xor3A_1091 = vector.broadcast %xor3A_1090 : i32 to vector<16xi32>
      %xor3A_1092 = arith.xori %iota3A, %xor3A_1091 : vector<16xi32>
      %lt3A_1093 = arith.constant 0 : i32
      %lt3A_1094 = vector.broadcast %lt3A_1093 : i32 to vector<16xi32>
      %lt3A_1095 = arith.cmpi slt, %xor3A_1092, %lt3A_1094 : vector<16xi32>
      %add3A_1096 = arith.constant 16 : i32
      %add3A_1097 = vector.broadcast %add3A_1096 : i32 to vector<16xi32>
      %add3A_1098 = arith.addi %xor3A_1092, %add3A_1097 : vector<16xi32>
      %select_n3A_1099 = arith.select %lt3A_1095, %add3A_1098, %xor3A_1092 : vector<16xi1>, vector<16xi32>
      %broadcast_in_dim3A_1100 = vector.shape_cast %select_n3A_1099 : vector<16xi32> to vector<16x1xi32>
      %gather3A_1101 = vector.shape_cast %broadcast_in_dim3A_1100 : vector<16x1xi32> to vector<16xi32>
      %gather3A_1102 = tpu.dynamic_gather %add3A_1089[%gather3A_1101] in [0] : vector<16xf32>, vector<16xi32> -> vector<16xf32>
      %add3A_1103 = arith.addf %add3A_1089, %gather3A_1102 : vector<16xf32>
      %xor3A_1104 = arith.constant 4 : i32
      %xor3A_1105 = vector.broadcast %xor3A_1104 : i32 to vector<16xi32>
      %xor3A_1106 = arith.xori %iota3A, %xor3A_1105 : vector<16xi32>
      %lt3A_1107 = arith.constant 0 : i32
      %lt3A_1108 = vector.broadcast %lt3A_1107 : i32 to vector<16xi32>
      %lt3A_1109 = arith.cmpi slt, %xor3A_1106, %lt3A_1108 : vector<16xi32>
      %add3A_1110 = arith.constant 16 : i32
      %add3A_1111 = vector.broadcast %add3A_1110 : i32 to vector<16xi32>
      %add3A_1112 = arith.addi %xor3A_1106, %add3A_1111 : vector<16xi32>
      %select_n3A_1113 = arith.select %lt3A_1109, %add3A_1112, %xor3A_1106 : vector<16xi1>, vector<16xi32>
      %broadcast_in_dim3A_1114 = vector.shape_cast %select_n3A_1113 : vector<16xi32> to vector<16x1xi32>
      %gather3A_1115 = vector.shape_cast %broadcast_in_dim3A_1114 : vector<16x1xi32> to vector<16xi32>
      %gather3A_1116 = tpu.dynamic_gather %add3A_1103[%gather3A_1115] in [0] : vector<16xf32>, vector<16xi32> -> vector<16xf32>
      %add3A_1117 = arith.addf %add3A_1103, %gather3A_1116 : vector<16xf32>
      %xor3A_1118 = arith.constant 8 : i32
      %xor3A_1119 = vector.broadcast %xor3A_1118 : i32 to vector<16xi32>
      %xor3A_1120 = arith.xori %iota3A, %xor3A_1119 : vector<16xi32>
      %lt3A_1121 = arith.constant 0 : i32
      %lt3A_1122 = vector.broadcast %lt3A_1121 : i32 to vector<16xi32>
      %lt3A_1123 = arith.cmpi slt, %xor3A_1120, %lt3A_1122 : vector<16xi32>
      %add3A_1124 = arith.constant 16 : i32
      %add3A_1125 = vector.broadcast %add3A_1124 : i32 to vector<16xi32>
      %add3A_1126 = arith.addi %xor3A_1120, %add3A_1125 : vector<16xi32>
      %select_n3A_1127 = arith.select %lt3A_1123, %add3A_1126, %xor3A_1120 : vector<16xi1>, vector<16xi32>
      %broadcast_in_dim3A_1128 = vector.shape_cast %select_n3A_1127 : vector<16xi32> to vector<16x1xi32>
      %gather3A_1129 = vector.shape_cast %broadcast_in_dim3A_1128 : vector<16x1xi32> to vector<16xi32>
      %gather3A_1130 = tpu.dynamic_gather %add3A_1117[%gather3A_1129] in [0] : vector<16xf32>, vector<16xi32> -> vector<16xf32>
      %add3A_1131 = arith.addf %add3A_1117, %gather3A_1130 : vector<16xf32>
      %eq3A_1132 = arith.constant 12 : i32
      %eq3A_1133 = vector.broadcast %eq3A_1132 : i32 to vector<16xi32>
      %eq3A_1134 = arith.cmpi eq, %iota3A, %eq3A_1133 : vector<16xi32>
      %select_n3A_1135 = arith.select %eq3A_1134, %add3A_1131, %select_n3A_1062 : vector<16xi1>, vector<16xf32>
      %add3A_1136 = arith.constant 13 : i32
      %add3A_1137 = arith.addi %mul3A_191, %add3A_1136 : i32
      %get3A_1138 = arith.index_cast %add3A_1137 : i32 to index
      %get3A_1139 = arith.constant 0 : index
      %get3A_1140 = tpu.vector_load %arg9[%get3A_1138, %get3A_1139] {strides = array<i32>} : memref<512x16xf32, #tpu.memory_space<vmem>>, vector<1x16xf32>,
      %get3A_1141 = vector.shape_cast %get3A_1140 : vector<1x16xf32> to vector<16xf32>
      %add3A_1142 = arith.constant 13 : i32
      %add3A_1143 = arith.addi %mul3A_191, %add3A_1142 : i32
      %get3A_1144 = arith.index_cast %add3A_1143 : i32 to index
      %get3A_1145 = arith.constant 0 : index
      %get3A_1146 = tpu.vector_load %arg10[%get3A_1144, %get3A_1145] {strides = array<i32>} : memref<512x16xf32, #tpu.memory_space<vmem>>, vector<1x16xf32>,
      %get3A_1147 = vector.shape_cast %get3A_1146 : vector<1x16xf32> to vector<16xf32>
      %mul3A_1148 = arith.mulf %get3A_1141, %get3A_1147 : vector<16xf32>
      %xor3A_1149 = arith.constant 1 : i32
      %xor3A_1150 = vector.broadcast %xor3A_1149 : i32 to vector<16xi32>
      %xor3A_1151 = arith.xori %iota3A, %xor3A_1150 : vector<16xi32>
      %lt3A_1152 = arith.constant 0 : i32
      %lt3A_1153 = vector.broadcast %lt3A_1152 : i32 to vector<16xi32>
      %lt3A_1154 = arith.cmpi slt, %xor3A_1151, %lt3A_1153 : vector<16xi32>
      %add3A_1155 = arith.constant 16 : i32
      %add3A_1156 = vector.broadcast %add3A_1155 : i32 to vector<16xi32>
      %add3A_1157 = arith.addi %xor3A_1151, %add3A_1156 : vector<16xi32>
      %select_n3A_1158 = arith.select %lt3A_1154, %add3A_1157, %xor3A_1151 : vector<16xi1>, vector<16xi32>
      %broadcast_in_dim3A_1159 = vector.shape_cast %select_n3A_1158 : vector<16xi32> to vector<16x1xi32>
      %gather3A_1160 = vector.shape_cast %broadcast_in_dim3A_1159 : vector<16x1xi32> to vector<16xi32>
      %gather3A_1161 = tpu.dynamic_gather %mul3A_1148[%gather3A_1160] in [0] : vector<16xf32>, vector<16xi32> -> vector<16xf32>
      %add3A_1162 = arith.addf %mul3A_1148, %gather3A_1161 : vector<16xf32>
      %xor3A_1163 = arith.constant 2 : i32
      %xor3A_1164 = vector.broadcast %xor3A_1163 : i32 to vector<16xi32>
      %xor3A_1165 = arith.xori %iota3A, %xor3A_1164 : vector<16xi32>
      %lt3A_1166 = arith.constant 0 : i32
      %lt3A_1167 = vector.broadcast %lt3A_1166 : i32 to vector<16xi32>
      %lt3A_1168 = arith.cmpi slt, %xor3A_1165, %lt3A_1167 : vector<16xi32>
      %add3A_1169 = arith.constant 16 : i32
      %add3A_1170 = vector.broadcast %add3A_1169 : i32 to vector<16xi32>
      %add3A_1171 = arith.addi %xor3A_1165, %add3A_1170 : vector<16xi32>
      %select_n3A_1172 = arith.select %lt3A_1168, %add3A_1171, %xor3A_1165 : vector<16xi1>, vector<16xi32>
      %broadcast_in_dim3A_1173 = vector.shape_cast %select_n3A_1172 : vector<16xi32> to vector<16x1xi32>
      %gather3A_1174 = vector.shape_cast %broadcast_in_dim3A_1173 : vector<16x1xi32> to vector<16xi32>
      %gather3A_1175 = tpu.dynamic_gather %add3A_1162[%gather3A_1174] in [0] : vector<16xf32>, vector<16xi32> -> vector<16xf32>
      %add3A_1176 = arith.addf %add3A_1162, %gather3A_1175 : vector<16xf32>
      %xor3A_1177 = arith.constant 4 : i32
      %xor3A_1178 = vector.broadcast %xor3A_1177 : i32 to vector<16xi32>
      %xor3A_1179 = arith.xori %iota3A, %xor3A_1178 : vector<16xi32>
      %lt3A_1180 = arith.constant 0 : i32
      %lt3A_1181 = vector.broadcast %lt3A_1180 : i32 to vector<16xi32>
      %lt3A_1182 = arith.cmpi slt, %xor3A_1179, %lt3A_1181 : vector<16xi32>
      %add3A_1183 = arith.constant 16 : i32
      %add3A_1184 = vector.broadcast %add3A_1183 : i32 to vector<16xi32>
      %add3A_1185 = arith.addi %xor3A_1179, %add3A_1184 : vector<16xi32>
      %select_n3A_1186 = arith.select %lt3A_1182, %add3A_1185, %xor3A_1179 : vector<16xi1>, vector<16xi32>
      %broadcast_in_dim3A_1187 = vector.shape_cast %select_n3A_1186 : vector<16xi32> to vector<16x1xi32>
      %gather3A_1188 = vector.shape_cast %broadcast_in_dim3A_1187 : vector<16x1xi32> to vector<16xi32>
      %gather3A_1189 = tpu.dynamic_gather %add3A_1176[%gather3A_1188] in [0] : vector<16xf32>, vector<16xi32> -> vector<16xf32>
      %add3A_1190 = arith.addf %add3A_1176, %gather3A_1189 : vector<16xf32>
      %xor3A_1191 = arith.constant 8 : i32
      %xor3A_1192 = vector.broadcast %xor3A_1191 : i32 to vector<16xi32>
      %xor3A_1193 = arith.xori %iota3A, %xor3A_1192 : vector<16xi32>
      %lt3A_1194 = arith.constant 0 : i32
      %lt3A_1195 = vector.broadcast %lt3A_1194 : i32 to vector<16xi32>
      %lt3A_1196 = arith.cmpi slt, %xor3A_1193, %lt3A_1195 : vector<16xi32>
      %add3A_1197 = arith.constant 16 : i32
      %add3A_1198 = vector.broadcast %add3A_1197 : i32 to vector<16xi32>
      %add3A_1199 = arith.addi %xor3A_1193, %add3A_1198 : vector<16xi32>
      %select_n3A_1200 = arith.select %lt3A_1196, %add3A_1199, %xor3A_1193 : vector<16xi1>, vector<16xi32>
      %broadcast_in_dim3A_1201 = vector.shape_cast %select_n3A_1200 : vector<16xi32> to vector<16x1xi32>
      %gather3A_1202 = vector.shape_cast %broadcast_in_dim3A_1201 : vector<16x1xi32> to vector<16xi32>
      %gather3A_1203 = tpu.dynamic_gather %add3A_1190[%gather3A_1202] in [0] : vector<16xf32>, vector<16xi32> -> vector<16xf32>
      %add3A_1204 = arith.addf %add3A_1190, %gather3A_1203 : vector<16xf32>
      %eq3A_1205 = arith.constant 13 : i32
      %eq3A_1206 = vector.broadcast %eq3A_1205 : i32 to vector<16xi32>
      %eq3A_1207 = arith.cmpi eq, %iota3A, %eq3A_1206 : vector<16xi32>
      %select_n3A_1208 = arith.select %eq3A_1207, %add3A_1204, %select_n3A_1135 : vector<16xi1>, vector<16xf32>
      %add3A_1209 = arith.constant 14 : i32
      %add3A_1210 = arith.addi %mul3A_191, %add3A_1209 : i32
      %get3A_1211 = arith.index_cast %add3A_1210 : i32 to index
      %get3A_1212 = arith.constant 0 : index
      %get3A_1213 = tpu.vector_load %arg9[%get3A_1211, %get3A_1212] {strides = array<i32>} : memref<512x16xf32, #tpu.memory_space<vmem>>, vector<1x16xf32>,
      %get3A_1214 = vector.shape_cast %get3A_1213 : vector<1x16xf32> to vector<16xf32>
      %add3A_1215 = arith.constant 14 : i32
      %add3A_1216 = arith.addi %mul3A_191, %add3A_1215 : i32
      %get3A_1217 = arith.index_cast %add3A_1216 : i32 to index
      %get3A_1218 = arith.constant 0 : index
      %get3A_1219 = tpu.vector_load %arg10[%get3A_1217, %get3A_1218] {strides = array<i32>} : memref<512x16xf32, #tpu.memory_space<vmem>>, vector<1x16xf32>,
      %get3A_1220 = vector.shape_cast %get3A_1219 : vector<1x16xf32> to vector<16xf32>
      %mul3A_1221 = arith.mulf %get3A_1214, %get3A_1220 : vector<16xf32>
      %xor3A_1222 = arith.constant 1 : i32
      %xor3A_1223 = vector.broadcast %xor3A_1222 : i32 to vector<16xi32>
      %xor3A_1224 = arith.xori %iota3A, %xor3A_1223 : vector<16xi32>
      %lt3A_1225 = arith.constant 0 : i32
      %lt3A_1226 = vector.broadcast %lt3A_1225 : i32 to vector<16xi32>
      %lt3A_1227 = arith.cmpi slt, %xor3A_1224, %lt3A_1226 : vector<16xi32>
      %add3A_1228 = arith.constant 16 : i32
      %add3A_1229 = vector.broadcast %add3A_1228 : i32 to vector<16xi32>
      %add3A_1230 = arith.addi %xor3A_1224, %add3A_1229 : vector<16xi32>
      %select_n3A_1231 = arith.select %lt3A_1227, %add3A_1230, %xor3A_1224 : vector<16xi1>, vector<16xi32>
      %broadcast_in_dim3A_1232 = vector.shape_cast %select_n3A_1231 : vector<16xi32> to vector<16x1xi32>
      %gather3A_1233 = vector.shape_cast %broadcast_in_dim3A_1232 : vector<16x1xi32> to vector<16xi32>
      %gather3A_1234 = tpu.dynamic_gather %mul3A_1221[%gather3A_1233] in [0] : vector<16xf32>, vector<16xi32> -> vector<16xf32>
      %add3A_1235 = arith.addf %mul3A_1221, %gather3A_1234 : vector<16xf32>
      %xor3A_1236 = arith.constant 2 : i32
      %xor3A_1237 = vector.broadcast %xor3A_1236 : i32 to vector<16xi32>
      %xor3A_1238 = arith.xori %iota3A, %xor3A_1237 : vector<16xi32>
      %lt3A_1239 = arith.constant 0 : i32
      %lt3A_1240 = vector.broadcast %lt3A_1239 : i32 to vector<16xi32>
      %lt3A_1241 = arith.cmpi slt, %xor3A_1238, %lt3A_1240 : vector<16xi32>
      %add3A_1242 = arith.constant 16 : i32
      %add3A_1243 = vector.broadcast %add3A_1242 : i32 to vector<16xi32>
      %add3A_1244 = arith.addi %xor3A_1238, %add3A_1243 : vector<16xi32>
      %select_n3A_1245 = arith.select %lt3A_1241, %add3A_1244, %xor3A_1238 : vector<16xi1>, vector<16xi32>
      %broadcast_in_dim3A_1246 = vector.shape_cast %select_n3A_1245 : vector<16xi32> to vector<16x1xi32>
      %gather3A_1247 = vector.shape_cast %broadcast_in_dim3A_1246 : vector<16x1xi32> to vector<16xi32>
      %gather3A_1248 = tpu.dynamic_gather %add3A_1235[%gather3A_1247] in [0] : vector<16xf32>, vector<16xi32> -> vector<16xf32>
      %add3A_1249 = arith.addf %add3A_1235, %gather3A_1248 : vector<16xf32>
      %xor3A_1250 = arith.constant 4 : i32
      %xor3A_1251 = vector.broadcast %xor3A_1250 : i32 to vector<16xi32>
      %xor3A_1252 = arith.xori %iota3A, %xor3A_1251 : vector<16xi32>
      %lt3A_1253 = arith.constant 0 : i32
      %lt3A_1254 = vector.broadcast %lt3A_1253 : i32 to vector<16xi32>
      %lt3A_1255 = arith.cmpi slt, %xor3A_1252, %lt3A_1254 : vector<16xi32>
      %add3A_1256 = arith.constant 16 : i32
      %add3A_1257 = vector.broadcast %add3A_1256 : i32 to vector<16xi32>
      %add3A_1258 = arith.addi %xor3A_1252, %add3A_1257 : vector<16xi32>
      %select_n3A_1259 = arith.select %lt3A_1255, %add3A_1258, %xor3A_1252 : vector<16xi1>, vector<16xi32>
      %broadcast_in_dim3A_1260 = vector.shape_cast %select_n3A_1259 : vector<16xi32> to vector<16x1xi32>
      %gather3A_1261 = vector.shape_cast %broadcast_in_dim3A_1260 : vector<16x1xi32> to vector<16xi32>
      %gather3A_1262 = tpu.dynamic_gather %add3A_1249[%gather3A_1261] in [0] : vector<16xf32>, vector<16xi32> -> vector<16xf32>
      %add3A_1263 = arith.addf %add3A_1249, %gather3A_1262 : vector<16xf32>
      %xor3A_1264 = arith.constant 8 : i32
      %xor3A_1265 = vector.broadcast %xor3A_1264 : i32 to vector<16xi32>
      %xor3A_1266 = arith.xori %iota3A, %xor3A_1265 : vector<16xi32>
      %lt3A_1267 = arith.constant 0 : i32
      %lt3A_1268 = vector.broadcast %lt3A_1267 : i32 to vector<16xi32>
      %lt3A_1269 = arith.cmpi slt, %xor3A_1266, %lt3A_1268 : vector<16xi32>
      %add3A_1270 = arith.constant 16 : i32
      %add3A_1271 = vector.broadcast %add3A_1270 : i32 to vector<16xi32>
      %add3A_1272 = arith.addi %xor3A_1266, %add3A_1271 : vector<16xi32>
      %select_n3A_1273 = arith.select %lt3A_1269, %add3A_1272, %xor3A_1266 : vector<16xi1>, vector<16xi32>
      %broadcast_in_dim3A_1274 = vector.shape_cast %select_n3A_1273 : vector<16xi32> to vector<16x1xi32>
      %gather3A_1275 = vector.shape_cast %broadcast_in_dim3A_1274 : vector<16x1xi32> to vector<16xi32>
      %gather3A_1276 = tpu.dynamic_gather %add3A_1263[%gather3A_1275] in [0] : vector<16xf32>, vector<16xi32> -> vector<16xf32>
      %add3A_1277 = arith.addf %add3A_1263, %gather3A_1276 : vector<16xf32>
      %eq3A_1278 = arith.constant 14 : i32
      %eq3A_1279 = vector.broadcast %eq3A_1278 : i32 to vector<16xi32>
      %eq3A_1280 = arith.cmpi eq, %iota3A, %eq3A_1279 : vector<16xi32>
      %select_n3A_1281 = arith.select %eq3A_1280, %add3A_1277, %select_n3A_1208 : vector<16xi1>, vector<16xf32>
      %add3A_1282 = arith.constant 15 : i32
      %add3A_1283 = arith.addi %mul3A_191, %add3A_1282 : i32
      %get3A_1284 = arith.index_cast %add3A_1283 : i32 to index
      %get3A_1285 = arith.constant 0 : index
      %get3A_1286 = tpu.vector_load %arg9[%get3A_1284, %get3A_1285] {strides = array<i32>} : memref<512x16xf32, #tpu.memory_space<vmem>>, vector<1x16xf32>,
      %get3A_1287 = vector.shape_cast %get3A_1286 : vector<1x16xf32> to vector<16xf32>
      %add3A_1288 = arith.constant 15 : i32
      %add3A_1289 = arith.addi %mul3A_191, %add3A_1288 : i32
      %get3A_1290 = arith.index_cast %add3A_1289 : i32 to index
      %get3A_1291 = arith.constant 0 : index
      %get3A_1292 = tpu.vector_load %arg10[%get3A_1290, %get3A_1291] {strides = array<i32>} : memref<512x16xf32, #tpu.memory_space<vmem>>, vector<1x16xf32>,
      %get3A_1293 = vector.shape_cast %get3A_1292 : vector<1x16xf32> to vector<16xf32>
      %mul3A_1294 = arith.mulf %get3A_1287, %get3A_1293 : vector<16xf32>
      %xor3A_1295 = arith.constant 1 : i32
      %xor3A_1296 = vector.broadcast %xor3A_1295 : i32 to vector<16xi32>
      %xor3A_1297 = arith.xori %iota3A, %xor3A_1296 : vector<16xi32>
      %lt3A_1298 = arith.constant 0 : i32
      %lt3A_1299 = vector.broadcast %lt3A_1298 : i32 to vector<16xi32>
      %lt3A_1300 = arith.cmpi slt, %xor3A_1297, %lt3A_1299 : vector<16xi32>
      %add3A_1301 = arith.constant 16 : i32
      %add3A_1302 = vector.broadcast %add3A_1301 : i32 to vector<16xi32>
      %add3A_1303 = arith.addi %xor3A_1297, %add3A_1302 : vector<16xi32>
      %select_n3A_1304 = arith.select %lt3A_1300, %add3A_1303, %xor3A_1297 : vector<16xi1>, vector<16xi32>
      %broadcast_in_dim3A_1305 = vector.shape_cast %select_n3A_1304 : vector<16xi32> to vector<16x1xi32>
      %gather3A_1306 = vector.shape_cast %broadcast_in_dim3A_1305 : vector<16x1xi32> to vector<16xi32>
      %gather3A_1307 = tpu.dynamic_gather %mul3A_1294[%gather3A_1306] in [0] : vector<16xf32>, vector<16xi32> -> vector<16xf32>
      %add3A_1308 = arith.addf %mul3A_1294, %gather3A_1307 : vector<16xf32>
      %xor3A_1309 = arith.constant 2 : i32
      %xor3A_1310 = vector.broadcast %xor3A_1309 : i32 to vector<16xi32>
      %xor3A_1311 = arith.xori %iota3A, %xor3A_1310 : vector<16xi32>
      %lt3A_1312 = arith.constant 0 : i32
      %lt3A_1313 = vector.broadcast %lt3A_1312 : i32 to vector<16xi32>
      %lt3A_1314 = arith.cmpi slt, %xor3A_1311, %lt3A_1313 : vector<16xi32>
      %add3A_1315 = arith.constant 16 : i32
      %add3A_1316 = vector.broadcast %add3A_1315 : i32 to vector<16xi32>
      %add3A_1317 = arith.addi %xor3A_1311, %add3A_1316 : vector<16xi32>
      %select_n3A_1318 = arith.select %lt3A_1314, %add3A_1317, %xor3A_1311 : vector<16xi1>, vector<16xi32>
      %broadcast_in_dim3A_1319 = vector.shape_cast %select_n3A_1318 : vector<16xi32> to vector<16x1xi32>
      %gather3A_1320 = vector.shape_cast %broadcast_in_dim3A_1319 : vector<16x1xi32> to vector<16xi32>
      %gather3A_1321 = tpu.dynamic_gather %add3A_1308[%gather3A_1320] in [0] : vector<16xf32>, vector<16xi32> -> vector<16xf32>
      %add3A_1322 = arith.addf %add3A_1308, %gather3A_1321 : vector<16xf32>
      %xor3A_1323 = arith.constant 4 : i32
      %xor3A_1324 = vector.broadcast %xor3A_1323 : i32 to vector<16xi32>
      %xor3A_1325 = arith.xori %iota3A, %xor3A_1324 : vector<16xi32>
      %lt3A_1326 = arith.constant 0 : i32
      %lt3A_1327 = vector.broadcast %lt3A_1326 : i32 to vector<16xi32>
      %lt3A_1328 = arith.cmpi slt, %xor3A_1325, %lt3A_1327 : vector<16xi32>
      %add3A_1329 = arith.constant 16 : i32
      %add3A_1330 = vector.broadcast %add3A_1329 : i32 to vector<16xi32>
      %add3A_1331 = arith.addi %xor3A_1325, %add3A_1330 : vector<16xi32>
      %select_n3A_1332 = arith.select %lt3A_1328, %add3A_1331, %xor3A_1325 : vector<16xi1>, vector<16xi32>
      %broadcast_in_dim3A_1333 = vector.shape_cast %select_n3A_1332 : vector<16xi32> to vector<16x1xi32>
      %gather3A_1334 = vector.shape_cast %broadcast_in_dim3A_1333 : vector<16x1xi32> to vector<16xi32>
      %gather3A_1335 = tpu.dynamic_gather %add3A_1322[%gather3A_1334] in [0] : vector<16xf32>, vector<16xi32> -> vector<16xf32>
      %add3A_1336 = arith.addf %add3A_1322, %gather3A_1335 : vector<16xf32>
      %xor3A_1337 = arith.constant 8 : i32
      %xor3A_1338 = vector.broadcast %xor3A_1337 : i32 to vector<16xi32>
      %xor3A_1339 = arith.xori %iota3A, %xor3A_1338 : vector<16xi32>
      %lt3A_1340 = arith.constant 0 : i32
      %lt3A_1341 = vector.broadcast %lt3A_1340 : i32 to vector<16xi32>
      %lt3A_1342 = arith.cmpi slt, %xor3A_1339, %lt3A_1341 : vector<16xi32>
      %add3A_1343 = arith.constant 16 : i32
      %add3A_1344 = vector.broadcast %add3A_1343 : i32 to vector<16xi32>
      %add3A_1345 = arith.addi %xor3A_1339, %add3A_1344 : vector<16xi32>
      %select_n3A_1346 = arith.select %lt3A_1342, %add3A_1345, %xor3A_1339 : vector<16xi1>, vector<16xi32>
      %broadcast_in_dim3A_1347 = vector.shape_cast %select_n3A_1346 : vector<16xi32> to vector<16x1xi32>
      %gather3A_1348 = vector.shape_cast %broadcast_in_dim3A_1347 : vector<16x1xi32> to vector<16xi32>
      %gather3A_1349 = tpu.dynamic_gather %add3A_1336[%gather3A_1348] in [0] : vector<16xf32>, vector<16xi32> -> vector<16xf32>
      %add3A_1350 = arith.addf %add3A_1336, %gather3A_1349 : vector<16xf32>
      %eq3A_1351 = arith.constant 15 : i32
      %eq3A_1352 = vector.broadcast %eq3A_1351 : i32 to vector<16xi32>
      %eq3A_1353 = arith.cmpi eq, %iota3A, %eq3A_1352 : vector<16xi32>
      %select_n3A_1354 = arith.select %eq3A_1353, %add3A_1350, %select_n3A_1281 : vector<16xi1>, vector<16xf32>
      %swap3A = arith.index_cast %mul3A_191 : i32 to index
      %swap3A_1355 = tpu.vector_load %arg11[%swap3A] {strides = array<i32>} : memref<512xf32, #tpu.memory_space<vmem>>, vector<16xf32>,
      %swap3A_1356 = vector.shape_cast %swap3A_1355 : vector<16xf32> to vector<16xf32>
      %swap3A_1357 = vector.shape_cast %select_n3A_1354 : vector<16xf32> to vector<16xf32>
      tpu.vector_store %arg11[%swap3A], %swap3A_1357 {strides = array<i32>} : memref<512xf32, #tpu.memory_space<vmem>>, vector<16xf32>,
    }
    %scan3A_188 = arith.constant 32 : i32
    "tpu.region"() ({
      %run_scoped3A_189 = tpu.sem_alloc : memref<!tpu.dma_semaphore, #tpu.memory_space<semaphore_mem>>
      %dma_start3A_190 = tpu.memref_slice %arg6[%mul3A_2] : memref<16384xf32, #tpu.memory_space<hbm>> -> memref<512xf32, #tpu.memory_space<hbm>>
      %dma_start3A_191 = tpu.memref_slice %arg6[%mul3A_2] : memref<16384xf32, #tpu.memory_space<hbm>> -> memref<512xf32, #tpu.memory_space<hbm>>
      tpu.enqueue_dma source(%arg11 : memref<512xf32, #tpu.memory_space<vmem>>) target(%dma_start3A_191 : memref<512xf32, #tpu.memory_space<hbm>>) target_semaphore(%run_scoped3A_189 : memref<!tpu.dma_semaphore, #tpu.memory_space<semaphore_mem>>)
      %dma_wait3A_192 = tpu.memref_slice %arg6[%mul3A_2] : memref<16384xf32, #tpu.memory_space<hbm>> -> memref<512xf32, #tpu.memory_space<hbm>>
      %dma_wait3A_193 = tpu.memref_slice %arg6[%mul3A_2] : memref<16384xf32, #tpu.memory_space<hbm>> -> memref<512xf32, #tpu.memory_space<hbm>>
      tpu.wait_dma2 semaphore(%run_scoped3A_189 : memref<!tpu.dma_semaphore, #tpu.memory_space<semaphore_mem>>) src(%arg11 : memref<512xf32, #tpu.memory_space<vmem>>) dst(%dma_wait3A_193 : memref<512xf32, #tpu.memory_space<hbm>>)
      tpu.yield
    }) : () -> ()
    return
  }
}

</mosaic_0001>

<sc_bundles>
// kernel: kernel.3.cloned.1.call-start
scs
__scs_entry_jumppad:
0x0: {  	(pc) =	sbr.rel $0x88, $3  }
0x1: {  	(tag) =	ssettag $0x0;
	lr =	simm.s32 $0x1  }
0x2: {  	[smem:$0x3F9D] =	sst lr;
	_ =	strace $0xD0000000  }
0x3: {  	_ = 	snop  }
0x4: {  	_ = 	snop  }
0x5: {  	_ = 	snop  }
0x6: {  	_ = 	snop  }
0x7: {  	_ = 	snop  }
__scs_overlays_trampoline_lowered:
0x8: {  	[smem:$0x3FAC] =	sst s0  }
0x9: {  	[smem:$0x3FAD] =	sst s1  }
0xa: {  	[smem:$0x3FAE] =	sst s2  }
0xb: {  	[smem:$0x3FAF] =	sst s3  }
0xc: {  	[smem:$0x3FB0] =	sst s4  }
0xd: {  	[smem:$0x3FB1] =	sst s5  }
0xe: {  	[smem:$0x3FB2] =	sst s6  }
0xf: {  	[smem:$0x3FB3] =	sst s7  }
0x10: {  	[smem:$0x3FB4] =	sst s8  }
0x11: {  	[smem:$0x3FB5] =	sst s9;
	s0 =	simm.s32 @!p0 $0x0  }
0x12: {  	s1 =	sld [smem:$0x3F9B];
	s0 =	simm.s32 @p0 $0x1  }
0x13: {  	[smem:$0x3FB6] =	sst s0;
	s0 =	simm.s32 @!p1 $0x0  }
0x14: {  	s2 =	sld [smem:$0x3F9A];
	s0 =	simm.s32 @p1 $0x1  }
0x15: {  	[smem:$0x3FB7] =	sst s0;
	s0 =	simm.s32 @!p2 $0x0  }
0x16: {  	s3 =	sld [smem:$0x3FDB];
	s0 =	simm.s32 @p2 $0x1  }
0x17: {  	s4 =	simm.s32 $0x1BF5;
	[smem:$0x3FB9] =	sst s0  }
0x18: {  	s0 =	sld [smem:$0x3F9C];
	_ =	swait.ge [sflag:s4], $0x0  }
0x19: {  	s7 =	sld [smem:$0x3F9D]  }
0x1a: {  	s8 =	sadd.s32 $0xFFFFE003, lr  }
0x1b: {  	s9 =	sadd.s32 $0xFFFFFEF7, lr;
	s5 =	simm.s32 $0xFFFFFFFF;
	p2 =	slt.u32 s8, $0xFFFFF086  }
0x1c: {  	p1 =	slt.u32 s9, $0xF7A;
	s5 =	simm.s32 @!p2 $0x0  }
0x1d: {  	s5 =	simm.s32 @p1 $0x1;
	p0 =	seq.s32 s7, s2  }
0x1e: {  	s7 =	smul.u32 @!p0 $0xF7A, s2;
	p2 =	seq.s32 @!p0 s5, $0x0  }
0x1f: {  	s9 =	smul.u32 $0xF7A, s1;
	s8 =	simm.s32 @!p0 $0x1BF5;
	p2 =	por !p2, p0  }
0x20: {  	[sflag:s8] =	ssyncset.s32 @!p0 $0xFFFFF086;
	s6 =	sadd.s32 @!p0 s3, s7;
	s7 =	simm.s32 @!p0 $0x108  }
0x21: {  	s3 =	sadd.s32 s3, s9;
	s6 =	sadd.s32 @!p0 $0x88, s6;
	s7 =	simm.s32 @p2 $0x1082  }
0x22: {  	[simem:s7], [sflag:s8] =	dma.local @!p0 [hbm:s6], $0xF7A  }
0x23: {  	s9 =	sor.u32 $0xD0000000, s2;
	s6 =	simm.s32 $0x108;
	_ =	swait.ge @!p0 [sflag:s8], $0x0  }
0x24: {  	s3 =	sadd.s32 $0x88, s3;
	s6 =	simm.s32 @!p1 $0x1082;
	[sflag:s4] =	ssyncset.s32 $0xFFFFF086  }
0x25: {  	[simem:s6], [sflag:s4] =	dma.local [hbm:s3], $0xF7A  }
0x26: {  	[smem:$0x3F9D] =	sst s1;
	(tag) =	ssettag s2;
	_ =	strace s9  }
0x27: {  	s1 =	sld [smem:$0x3FAD]  }
0x28: {  	s2 =	sld [smem:$0x3FAE]  }
0x29: {  	s4 =	sld [smem:$0x3FB0]  }
0x2a: {  	p0 =	seq.s32 s5, $0x0;
	s5 =	sld [smem:$0x3FB1]  }
0x2b: {  	s6 =	sld [smem:$0x3FB2]  }
0x2c: {  	s7 =	sld [smem:$0x3FB3]  }
0x2d: {  	s3 =	simm.s32 $0x108;
	s8 =	sld [smem:$0x3FB4]  }
0x2e: {  	s3 =	simm.s32 @!p0 $0x1082;
	s9 =	sld [smem:$0x3FB5]  }
0x2f: {  	lr =	sadd.s32 s0, s3;
	s0 =	sld [smem:$0x3FAC]  }
0x30: {  	s3 =	sld [smem:$0x3FAF]  }
0x31: {  	[smem:$0x3FB8] =	sst s10  }
0x32: {  	s10 =	sld [smem:$0x3FB6];
	_ =	sdelay $0x3  }
0x33: {  	p0 =	seq.s32 s10, $0x1;
	s10 =	sld [smem:$0x3FB8];
	_ =	sdelay $0x3  }
0x34: {  	[smem:$0x3FB8] =	sst s10  }
0x35: {  	s10 =	sld [smem:$0x3FB7];
	_ =	sdelay $0x3  }
0x36: {  	p1 =	seq.s32 s10, $0x1;
	s10 =	sld [smem:$0x3FB8];
	_ =	sdelay $0x3  }
0x37: {  	[smem:$0x3FB8] =	sst s10  }
0x38: {  	s10 =	sld [smem:$0x3FB9]  }
0x39: {  	_ = 	snop;
	(pc) =	sbr.ind lr, $3  }
0x3a: {  	_ = 	snop  }
0x3b: {  	_ = 	snop  }
0x3c: {  	p2 =	seq.s32 s10, $0x1;
	s10 =	sld [smem:$0x3FB8]  }
0x3d: {  	_ =	shalt  }
0x3e: {  	_ =	shalt  }
0x3f: {  	_ =	shalt  }
0x40: {  	_ =	shalt  }
0x41: {  	_ =	shalt  }
0x42: {  	_ =	shalt  }
0x43: {  	_ =	shalt  }
0x44: {  	_ =	shalt  }
0x45: {  	_ =	shalt  }
0x46: {  	_ =	shalt  }
0x47: {  	_ =	shalt  }
0x48: {  	_ =	shalt  }
0x49: {  	_ =	shalt  }
0x4a: {  	_ =	shalt  }
0x4b: {  	_ =	shalt  }
0x4c: {  	_ =	shalt  }
0x4d: {  	_ =	shalt  }
0x4e: {  	_ =	shalt  }
0x4f: {  	_ =	shalt  }
0x50: {  	_ =	shalt  }
0x51: {  	_ =	shalt  }
0x52: {  	_ =	shalt  }
0x53: {  	_ =	shalt  }
0x54: {  	_ =	shalt  }
0x55: {  	_ =	shalt  }
0x56: {  	_ =	shalt  }
0x57: {  	_ =	shalt  }
0x58: {  	_ =	shalt  }
0x59: {  	_ =	shalt  }
0x5a: {  	_ =	shalt  }
0x5b: {  	_ =	shalt  }
0x5c: {  	_ =	shalt  }
0x5d: {  	_ =	shalt  }
0x5e: {  	_ =	shalt  }
0x5f: {  	_ =	shalt  }
0x60: {  	_ =	shalt  }
0x61: {  	_ =	shalt  }
0x62: {  	_ =	shalt  }
0x63: {  	_ =	shalt  }
0x64: {  	_ =	shalt  }
0x65: {  	_ =	shalt  }
0x66: {  	_ =	shalt  }
0x67: {  	_ =	shalt  }
0x68: {  	_ =	shalt  }
0x69: {  	_ =	shalt  }
0x6a: {  	_ =	shalt  }
0x6b: {  	_ =	shalt  }
0x6c: {  	_ =	shalt  }
0x6d: {  	_ =	shalt  }
0x6e: {  	_ =	shalt  }
0x6f: {  	_ =	shalt  }
0x70: {  	_ =	shalt  }
0x71: {  	_ =	shalt  }
0x72: {  	_ =	shalt  }
0x73: {  	_ =	shalt  }
0x74: {  	_ =	shalt  }
0x75: {  	_ =	shalt  }
0x76: {  	_ =	shalt  }
0x77: {  	_ =	shalt  }
0x78: {  	_ =	shalt  }
0x79: {  	_ =	shalt  }
0x7a: {  	_ =	shalt  }
0x7b: {  	_ =	shalt  }
0x7c: {  	_ =	shalt  }
0x7d: {  	_ =	shalt  }
0x7e: {  	_ =	shalt  }
0x7f: {  	_ =	shalt  }
0x80: {  	_ =	shalt  }
0x81: {  	_ =	shalt  }
0x82: {  	_ =	shalt  }
0x83: {  	_ =	shalt  }
0x84: {  	_ =	shalt  }
0x85: {  	_ =	shalt  }
0x86: {  	_ =	shalt  }
0x87: {  	_ =	shalt  }
.Lfunc_end0:
.L_simem_size_0:
called_computation_lowered:
.L_overlay_start_0:
0x88: {  	s2 =	sld [smem:$0x3FD9]  }
0x89: {  	s3 =	sld [smem:$0x3FFE];
	_ =	sdelay $0x1  }
0x8a: {  	s1 =	srdreg.scid  }
0x8b: {  	s0 =	sand.u32 $0x1, s1  }
0x8c: {  	s17 =	sshll.u32 s0, $0xA;
	s2 =	sadd.s32 s3, s2  }
0x8d: {  	s2 =	sadd.s32 s2, s17  }
0x8e: {  	[smem:$0x3FC4] =	sst s2  }
0x8f: {  	_ = 	snop  }
0x90: {  	s2 =	sld [smem:$0x3FC9]  }
0x91: {  	s18 =	sld [smem:$0x3FC8]  }
0x92: {  	s4 =	sld [smem:$0x3FD0];
	(tm) =	ssettm $0x1  }
0x93: {  	s5 =	sld [smem:$0x3FFB];
	_ =	sdelay $0x3  }
0x94: {  	_ =	strace s5  }
0x95: {  	s5 =	sld [smem:$0x3FFC];
	_ =	sdelay $0x3  }
0x96: {  	_ =	strace s5  }
0x97: {  	s5 =	sld [smem:$0x3FFD];
	_ =	sdelay $0x3  }
0x98: {  	_ =	strace s5  }
0x99: {  	_ =	strace $0x8FFFFFFF  }
0x9a: {  	s19 =	sld [smem:$0x3FDB];
	_ =	sdelay $0x1  }
0x9b: {  	s6 =	simm.s32 $_scs_section_size  }
0x9c: {  	s7 =	simm.s32 $_size__tile_overlayer_lowered;
	s8 =	simm.s32 $_tile_overlayer_lowered  }
0x9d: {  	s22 =	simm.s32 $0x1BFF;
	s21 =	sshll.u32 s8, $0x1;
	s5 =	sadd.s32 s6, s19  }
0x9e: {  	s9 =	simm.s32 $0x0;
	s20 =	sshll.u32 s7, $0x1;
	s7 =	sadd.s32 s21, s5  }
0x9f: {  	[timem:s9], [sflag:s22] =	dma.local [hbm:s7], s20  }
0xa0: {  	_ =	swait.ge [sflag:s22], s20  }
0xa1: {  	s6 =	ssub.s32 $0x0, s20;
	[sflag:s22] =	ssyncset.done $0x0  }
0xa2: {  	[sflag:s22] =	ssyncadd.s32 s6;
	_ =	sdelay $0x1  }
0xa3: {  	s23 =	simm.s32 $0x1B8B  }
0xa4: {  	_ =	swait.ge [sflag:s23], $0x1  }
0xa5: {  	[sflag:s23] =	ssyncset.done $0x0  }
0xa6: {  	s25 =	simm.s32 $0x1B8E;
	s24 =	sld [smem:$0x3FFE];
	[sflag:s23] =	ssyncadd.s32 $0xFFFFFFFF  }
0xa7: {  	s26 =	simm.s32 $execute0_lowered;
	[smem:$0x3FD2] =	sst s25  }
0xa8: {  	s7 =	sshll.u32 s26, $0x1;
	_ =	strace $0x80000046;
	[dreg:$0x1] =	wrdreg $0xFFFFFFFF  }
0xa9: {  	s28 =	simm.s32 $_size_execute0_lowered;
	s5 =	sadd.s32 s5, s7;
	[dreg:$0x0] =	wrdreg $0x0  }
0xaa: {  	s7 =	sshll.u32 s28, $0x1;
	[dreg:$0x2] =	wrdreg s5  }
0xab: {  	[dreg:$0x3] =	wrdreg s7  }
0xac: {  	[dreg:$0x4] =	wrdreg $0xC0  }
0xad: {  	_ =	task [dreg:s9], $0x5FFFF  }
0xae: {  	[dreg:$0x1] =	wrdreg $0xFFFFFFFF  }
0xaf: {  	[dreg:$0x0] =	wrdreg $0x60  }
0xb0: {  	[dreg:$0x2] =	wrdreg s2  }
0xb1: {  	[dreg:$0x3] =	wrdreg s18  }
0xb2: {  	[dreg:$0x4] =	wrdreg s24  }
0xb3: {  	[dreg:$0x5] =	wrdreg s4  }
0xb4: {  	[dreg:$0x6] =	wrdreg $0x9  }
0xb5: {  	_ =	task.clear_ibuf [dreg:s9], $0x7FFFF;
	_ =	strace $0x90000046  }
0xb6: {  	s29 =	simm.s32 $0x9;
	_ =	strace $0x80000048  }
0xb7: {  	_ =	swait.ge [sflag:s29], $0x1  }
0xb8: {  	[sflag:s29] =	ssyncadd.s32 $0xFFFFFFFF  }
0xb9: {  	_ =	strace $0x90000048  }
0xba: {  	_ =	sfence  }
0xbb: {  	s30 =	sld [smem:$0x0];
	_ =	sdelay $0x2  }
0xbc: {  	s31 =	sshll.u32 s1, $0xD;
	s1 =	sshrl.u32 s1, $0x2  }
0xbd: {  	s3 =	sand.u32 $0x4000, s31;
	s1 =	sadd.s32 s1, s30  }
0xbe: {  	s0 =	sor.u32 s3, s0;
	s1 =	sshll.u32 s1, $0x11  }
0xbf: {  	s0 =	sor.u32 s1, s0  }
0xc0: {  	s0 =	sadd.s32 $0x8F2B, s0  }
0xc1: {  	[sflag:s0] =	ssyncadd.remote.s32 $0x1  }
0xc2: {  	_ =	sfence.sel $0xFFFF  }
0xc3: {  	[dreg:$0x0] =	wrdreg $0xFFFFFFFF;
	(pc) =	sbr.abs _section_cstart, $3  }
0xc4: {  	[dreg:$0x1] =	wrdreg $0xFFFFFFFF  }
0xc5: {  	_ =	task.clear_ibuf [dreg:s9], $0x2FFFF;
	_ =	strace $0x9FFFFFFF  }
0xc6: {  	(tm) =	ssettm $0x7FFFFFFF  }
0xc7: {  	_ =	shalt  }
tec
execute0_lowered:
.L_overlay_start_1:
0x0: {  	(tag) =	ssettag $0x1  }
0x1: {  	s0 =	rddreg [dreg:$0x0]  }
0x2: {  	s2 =	rddreg [dreg:$0x1]  }
0x3: {  	s4 =	rddreg [dreg:$0x2];
	v0 =	vimm.s32 $0xEFCDAB89;
	v1 =	vimm.s32 $0x67452301  }
0x4: {  	s13 =	rddreg [dreg:$0x3];
	v2 =	vimm.s32 $0xDCFE98BA;
	v3 =	vimm.s32 $0x54761032;
	v4 =	vimm.s32 $0xBA98FEDC  }
0x5: {  	s1 =	simm.s32 $0x0;
	s5 =	srdreg.scid;
	s7 =	stileid.u32;
	v5 =	vimm.s32 $0x32107654;
	v6 =	vimm.s32 $0xFEDCBA98;
	v7 =	vimm.s32 $0x76543210  }
0x6: {  	s16 =	simm.s32 $0x80;
	s19 =	simm.s32 $0x100;
	s21 =	simm.s32 $0x180;
	vm0 =	vmmov $0x1;
	vm1 =	vmmov $0x3;
	vm2 =	vmmov $0x7  }
0x7: {  	s23 =	simm.s32 $0x200;
	s24 =	simm.s32 $0x2400;
	vm3 =	vmmov $0xf;
	vm4 =	vmmov $0x1f;
	vm5 =	vmmov $0x3f;
	s25 =	simm.s32 $0x280  }
0x8: {  	vm6 =	vmmov $0x7f;
	vm7 =	vmmov $0xff;
	vm8 =	vmmov $0x1ff;
	s26 =	simm.s32 $0x2C00;
	s28 =	simm.s32 $0x300;
	s29 =	simm.s32 $0x3400  }
0x9: {  	vm9 =	vmmov $0x3ff;
	vm10 =	vmmov $0x7ff;
	vm11 =	vmmov $0xfff;
	s30 =	simm.s32 $0x380;
	s31 =	simm.s32 $0x3C00;
	s17 =	simm.s32 $0x0  }
0xa: {  	vm12 =	vmmov $0x1fff;
	v0 =	vunpack.c.l.s4.s8 v0;
	[smem:$0x7FF] =	sst s1;
	v1 =	vunpack.c.l.s4.s8 v1;
	s3 =	sadd.s32 $0xF42800, s4;
	s5 =	sand.u32 $0x1, s5  }
0xb: {  	v2 =	vunpack.c.l.s4.s8 v2;
	s7 =	sshll.u32 s7, $0x7;
	v3 =	vunpack.c.l.s4.s8 v3;
	v4 =	vunpack.c.l.s4.s8 v4;
	s6 =	ssub.s32 $0x2, s5;
	s5 =	sshll.u32 s5, $0x6  }
0xc: {  	s4 =	sadd.s32 $0x112AE00, s4;
	v5 =	vunpack.c.l.s4.s8 v5;
	v6 =	vunpack.c.l.s4.s8 v6;
	v7 =	vunpack.c.l.s4.s8 v7;
	s8 =	sshrl.u32 s6, $0x1;
	s14 =	sor.u32 s5, s7  }
0xd: {  	_ =	strace $0x80000047;
	v0 =	vunpack.c.0.s8.s32 v0;
	v1 =	vunpack.c.0.s8.s32 v1;
	v2 =	vunpack.c.0.s8.s32 v2;
	s15 =	ssub.s32 s6, s8;
	s5 =	sadd.s32 s0, s14  }
0xe: {  	v3 =	vunpack.c.0.s8.s32 v3;
	v4 =	vunpack.c.0.s8.s32 v4;
	v5 =	vunpack.c.0.s8.s32 v5;
	s10 =	sor.u32 $0x10, s14;
	s11 =	sor.u32 $0x20, s14;
	s12 =	sor.u32 $0x30, s14  }
0xf: {  	vm13 =	vmmov $0x3fff;
	s9 =	sadd.s32 s2, s14;
	s13 =	sadd.s32 s13, s14;
	s6 =	sadd.s32 s0, s10;
	v0 =	vcombine.low v1, v0;
	v1 =	vunpack.c.0.s8.s32 v6  }
0x10: {  	s7 =	sadd.s32 s0, s11;
	s8 =	sadd.s32 s0, s12;
	v2 =	vcombine.low v3, v2;
	v3 =	vcombine.low v5, v4;
	s10 =	sadd.s32 s2, s10;
	v4 =	vunpack.c.0.s8.s32 v7  }
0x11: {  	vm14 =	vmmov $0x7fff;
	s11 =	sadd.s32 s2, s11;
	s12 =	sadd.s32 s2, s12;
	s14 =	smax.u32 s15, $0x1;
	v0 =	vand.u32 $0xF, v0;
	v5 =	vand.u32 $0xF, v1  }
0x12: {  	s15 =	simm.s32 $0x2;
	s0 =	simm.s32 $0x1;
	s2 =	simm.s32 $0x4400;
	v1 =	vand.u32 $0xF, v2;
	v2 =	vand.u32 $0xF, v3;
	v3 =	vcombine.low v5, v4  }
.LBB2_1:
0x13: {  	[tilespmem:s1], [sflag:$0x2] =	stream.linear.gather [hbm4b:s5+s1], $0x80, $0x38;
	[tilespmem:$0x4600] =	vst v63  }
0x14: {  	_ =	swait.ge [sflag:s15], $0x80  }
0x15: {  	[sflag:s15] =	ssyncset.done $0x0  }
0x16: {  	s18 =	simm.s32 $0x400;
	[sflag:s15] =	ssyncadd.s32 $0xFFFFFF80  }
0x17: {  	[tilespmem:s18], [sflag:$0x1] =	stream.indirect.gather [hbm4b:s3+s16], $0x10, s1, s16, $0xb8;
	[tilespmem:$0x4600] =	vst v63  }
0x18: {  	_ = 	snop  }
0x19: {  	[tilespmem:s16], [sflag:$0x2] =	stream.linear.gather [hbm4b:s6+s1], $0x80, $0x38;
	[tilespmem:$0x4600] =	vst v63  }
0x1a: {  	_ =	swait.ge [sflag:s15], $0x80  }
0x1b: {  	[sflag:s15] =	ssyncset.done $0x0  }
0x1c: {  	s20 =	simm.s32 $0xC00;
	[sflag:s15] =	ssyncadd.s32 $0xFFFFFF80  }
0x1d: {  	[tilespmem:s20], [sflag:$0x1] =	stream.indirect.gather [hbm4b:s3+s16], $0x10, s16, s16, $0xb8;
	[tilespmem:$0x4600] =	vst v63  }
0x1e: {  	_ = 	snop  }
0x1f: {  	[tilespmem:s19], [sflag:$0x2] =	stream.linear.gather [hbm4b:s7+s1], $0x80, $0x38;
	[tilespmem:$0x4600] =	vst v63  }
0x20: {  	_ =	swait.ge [sflag:s15], $0x80  }
0x21: {  	[sflag:s15] =	ssyncset.done $0x0  }
0x22: {  	s22 =	simm.s32 $0x1400;
	[sflag:s15] =	ssyncadd.s32 $0xFFFFFF80  }
0x23: {  	[tilespmem:s22], [sflag:$0x1] =	stream.indirect.gather [hbm4b:s3+s16], $0x10, s19, s16, $0xb8;
	[tilespmem:$0x4600] =	vst v63  }
0x24: {  	_ = 	snop  }
0x25: {  	[tilespmem:s21], [sflag:$0x2] =	stream.linear.gather [hbm4b:s8+s1], $0x80, $0x38;
	[tilespmem:$0x4600] =	vst v63  }
0x26: {  	_ =	swait.ge [sflag:s15], $0x80  }
0x27: {  	[sflag:s15] =	ssyncset.done $0x0  }
0x28: {  	s20 =	simm.s32 $0x1C00;
	[sflag:s15] =	ssyncadd.s32 $0xFFFFFF80  }
0x29: {  	[tilespmem:s20], [sflag:$0x1] =	stream.indirect.gather [hbm4b:s3+s16], $0x10, s21, s16, $0xb8;
	[tilespmem:$0x4600] =	vst v63  }
0x2a: {  	_ = 	snop  }
0x2b: {  	[tilespmem:s23], [sflag:$0x2] =	stream.linear.gather [hbm4b:s9+s1], $0x80, $0x38;
	[tilespmem:$0x4600] =	vst v63  }
0x2c: {  	_ =	swait.ge [sflag:s15], $0x80  }
0x2d: {  	[sflag:s15] =	ssyncset.done $0x0  }
0x2e: {  	[sflag:s15] =	ssyncadd.s32 $0xFFFFFF80  }
0x2f: {  	[tilespmem:s24], [sflag:$0x1] =	stream.indirect.gather [hbm4b:s4+s16], $0x10, s23, s16, $0xb8;
	[tilespmem:$0x4600] =	vst v63  }
0x30: {  	_ = 	snop  }
0x31: {  	[tilespmem:s25], [sflag:$0x2] =	stream.linear.gather [hbm4b:s10+s1], $0x80, $0x38;
	[tilespmem:$0x4600] =	vst v63  }
0x32: {  	_ =	swait.ge [sflag:s15], $0x80  }
0x33: {  	[sflag:s15] =	ssyncset.done $0x0  }
0x34: {  	[sflag:s15] =	ssyncadd.s32 $0xFFFFFF80  }
0x35: {  	[tilespmem:s26], [sflag:$0x1] =	stream.indirect.gather [hbm4b:s4+s16], $0x10, s25, s16, $0xb8;
	[tilespmem:$0x4600] =	vst v63  }
0x36: {  	_ = 	snop  }
0x37: {  	[tilespmem:s28], [sflag:$0x2] =	stream.linear.gather [hbm4b:s11+s1], $0x80, $0x38;
	[tilespmem:$0x4600] =	vst v63  }
0x38: {  	_ =	swait.ge [sflag:s15], $0x80  }
0x39: {  	[sflag:s15] =	ssyncset.done $0x0  }
0x3a: {  	[sflag:s15] =	ssyncadd.s32 $0xFFFFFF80  }
0x3b: {  	[tilespmem:s29], [sflag:$0x1] =	stream.indirect.gather [hbm4b:s4+s16], $0x10, s28, s16, $0xb8;
	[tilespmem:$0x4600] =	vst v63  }
0x3c: {  	_ = 	snop  }
0x3d: {  	[tilespmem:s30], [sflag:$0x2] =	stream.linear.gather [hbm4b:s12+s1], $0x80, $0x38;
	[tilespmem:$0x4600] =	vst v63  }
0x3e: {  	_ =	swait.ge [sflag:s15], $0x80  }
0x3f: {  	[sflag:s15] =	ssyncset.done $0x0  }
0x40: {  	[sflag:s15] =	ssyncadd.s32 $0xFFFFFF80  }
0x41: {  	[tilespmem:s31], [sflag:$0x1] =	stream.indirect.gather [hbm4b:s4+s16], $0x10, s30, s16, $0xb8;
	[tilespmem:$0x4600] =	vst v63  }
0x42: {  	_ =	swait.ge [sflag:s0], $0x800  }
0x43: {  	[sflag:s0] =	ssyncset.done $0x0  }
0x44: {  	[sflag:s0] =	ssyncadd.s32 $0xFFFFF800  }
0x45: {  	_ =	swait.ge [sflag:s0], $0x800  }
0x46: {  	[sflag:s0] =	ssyncset.done $0x0  }
0x47: {  	[sflag:s0] =	ssyncadd.s32 $0xFFFFF800  }
0x48: {  	_ =	swait.ge [sflag:s0], $0x800  }
0x49: {  	[sflag:s0] =	ssyncset.done $0x0  }
0x4a: {  	[sflag:s0] =	ssyncadd.s32 $0xFFFFF800  }
0x4b: {  	_ =	swait.ge [sflag:s0], $0x800  }
0x4c: {  	[sflag:s0] =	ssyncset.done $0x0  }
0x4d: {  	[sflag:s0] =	ssyncadd.s32 $0xFFFFF800  }
0x4e: {  	_ =	swait.ge [sflag:s0], $0x800  }
0x4f: {  	[sflag:s0] =	ssyncset.done $0x0  }
0x50: {  	[sflag:s0] =	ssyncadd.s32 $0xFFFFF800  }
0x51: {  	_ =	swait.ge [sflag:s0], $0x800  }
0x52: {  	[sflag:s0] =	ssyncset.done $0x0  }
0x53: {  	[sflag:s0] =	ssyncadd.s32 $0xFFFFF800  }
0x54: {  	_ =	swait.ge [sflag:s0], $0x800  }
0x55: {  	[sflag:s0] =	ssyncset.done $0x0  }
0x56: {  	[sflag:s0] =	ssyncadd.s32 $0xFFFFF800  }
0x57: {  	_ =	swait.ge [sflag:s0], $0x800  }
0x58: {  	[sflag:s0] =	ssyncset.done $0x0  }
0x59: {  	s22 =	simm.s32 $0x0;
	[sflag:s0] =	ssyncadd.s32 $0xFFFFF800  }
0x5a: {  	v4 =	vld [tilespmem:s22+$0x4F0]  }
0x5b: {  	v5 =	vld [tilespmem:s22+$0x24F0]  }
0x5c: {  	v6 =	vld [tilespmem:s22+$0x4E0]  }
0x5d: {  	v7 =	vld [tilespmem:s22+$0x24E0]  }
0x5e: {  	v8 =	vld [tilespmem:s22+$0x4D0]  }
0x5f: {  	v9 =	vld [tilespmem:s22+$0x24D0]  }
0x60: {  	v10 =	vld [tilespmem:s22+$0x4C0]  }
0x61: {  	v11 =	vld [tilespmem:s22+$0x24C0];
	_ =	sdelay $0x1  }
0x62: {  	v12 =	vld [tilespmem:s22+$0x4B0]  }
0x63: {  	v13 =	vld [tilespmem:s22+$0x24A0]  }
0x64: {  	v4 =	vmul.f32 v5, v4;
	v5 =	vld [tilespmem:s22+$0x24B0];
	v6 =	vmul.f32 v7, v6  }
0x65: {  	v14 =	vld [tilespmem:s22+$0x490];
	v8 =	vmul.f32 v9, v8;
	v10 =	vmul.f32 v11, v10  }
0x66: {  	v7 =	vld [tilespmem:s22+$0x4A0];
	v9 =	vperm.xlane v4, v0;
	v11 =	vperm.xlane v6, v0  }
0x67: {  	v17 =	vld [tilespmem:s22+$0x2480];
	v16 =	vperm.xlane v10, v0  }
0x68: {  	v15 =	vperm.xlane v8, v0;
	v4 =	vadd.f32 v9, v4;
	v9 =	vld [tilespmem:s22+$0x2490];
	v6 =	vadd.f32 v11, v6  }
0x69: {  	v11 =	vld [tilespmem:s22+$0x480];
	v10 =	vadd.f32 v16, v10;
	v12 =	vmul.f32 v5, v12  }
0x6a: {  	v8 =	vadd.f32 v15, v8;
	v15 =	vperm.xlane v4, v1;
	v16 =	vperm.xlane v6, v1  }
0x6b: {  	v18 =	vld [tilespmem:s22+$0x470];
	v7 =	vmul.f32 v13, v7;
	v20 =	vperm.xlane v10, v1  }
0x6c: {  	v21 =	vld [tilespmem:s22+$0x2460];
	v19 =	vperm.xlane v8, v1;
	v4 =	vadd.f32 v15, v4;
	v6 =	vadd.f32 v16, v6  }
0x6d: {  	v15 =	vld [tilespmem:s22+$0x2470];
	v10 =	vadd.f32 v20, v10;
	v20 =	vperm.xlane v12, v0;
	v9 =	vmul.f32 v9, v14  }
0x6e: {  	v16 =	vld [tilespmem:s22+$0x460];
	v8 =	vadd.f32 v19, v8;
	v14 =	vperm.xlane v7, v0;
	v11 =	vmul.f32 v17, v11  }
0x6f: {  	v23 =	vld [tilespmem:s22+$0x450];
	v19 =	vperm.xlane v4, v2;
	v5 =	vperm.xlane v6, v2  }
0x70: {  	v25 =	vld [tilespmem:s22+$0x410];
	v13 =	vperm.xlane v8, v2;
	v22 =	vperm.xlane v10, v2  }
0x71: {  	v12 =	vadd.f32 v20, v12;
	v17 =	vperm.xlane v9, v0;
	v4 =	vadd.f32 v19, v4;
	v19 =	vld [tilespmem:s22+$0x2450]  }
0x72: {  	v7 =	vadd.f32 v14, v7;
	v5 =	vadd.f32 v5, v6;
	v6 =	vld [tilespmem:s22+$0x430];
	v15 =	vmul.f32 v15, v18  }
0x73: {  	v8 =	vadd.f32 v13, v8;
	v13 =	vld [tilespmem:s22+$0x2430];
	v16 =	vmul.f32 v21, v16;
	v21 =	vperm.xlane v11, v0  }
0x74: {  	v20 =	vld [tilespmem:s22+$0x420];
	v9 =	vadd.f32 v17, v9;
	v17 =	vperm.xlane v12, v1;
	v18 =	vperm.xlane v15, v0  }
0x75: {  	v14 =	vld [tilespmem:s22+$0x2400];
	v10 =	vadd.f32 v22, v10;
	v24 =	vperm.xlane v16, v0;
	v11 =	vadd.f32 v21, v11  }
0x76: {  	v21 =	vperm.xlane v9, v1;
	v12 =	vadd.f32 v17, v12;
	v17 =	vld [tilespmem:s22+$0x2410];
	v15 =	vadd.f32 v18, v15  }
0x77: {  	v18 =	vld [tilespmem:s22+$0x400];
	v16 =	vadd.f32 v24, v16;
	v24 =	vperm.xlane v7, v1;
	v27 =	vperm.xlane v11, v1  }
0x78: {  	v9 =	vadd.f32 v21, v9;
	v21 =	vld [tilespmem:s22+$0x2420];
	v19 =	vmul.f32 v19, v23;
	v6 =	vmul.f32 v13, v6  }
0x79: {  	v26 =	vperm.xlane v15, v1;
	v28 =	vperm.xlane v16, v1;
	v7 =	vadd.f32 v24, v7  }
0x7a: {  	v29 =	vld [tilespmem:s22+$0x2440];
	v11 =	vadd.f32 v27, v11;
	v24 =	vperm.xlane v12, v2;
	v27 =	vperm.xlane v9, v2  }
0x7b: {  	v17 =	vmul.f32 v17, v25;
	v15 =	vadd.f32 v26, v15;
	v26 =	vld [tilespmem:s22+$0x440];
	v62 =	vperm.xlane v7, v2  }
0x7c: {  	v16 =	vadd.f32 v28, v16;
	v31 =	vperm.xlane v11, v2;
	v14 =	vmul.f32 v14, v18  }
0x7d: {  	v12 =	vadd.f32 v24, v12;
	v18 =	vmul.f32 v21, v20;
	v20 =	vperm.xlane v17, v0  }
0x7e: {  	v9 =	vadd.f32 v27, v9;
	v30 =	vperm.xlane v15, v2;
	v22 =	vperm.xlane v16, v2  }
0x7f: {  	v7 =	vadd.f32 v62, v7;
	v11 =	vadd.f32 v31, v11;
	v13 =	vperm.xlane v14, v0  }
0x80: {  	v21 =	vperm.xlane v18, v0;
	v15 =	vadd.f32 v30, v15;
	v23 =	vmul.f32 v29, v26  }
0x81: {  	v13 =	vadd.f32 v13, v14;
	v14 =	vadd.f32 v20, v17;
	v17 =	vperm.xlane v6, v0  }
0x82: {  	v18 =	vadd.f32 v21, v18;
	v21 =	vperm.xlane v19, v0;
	v20 =	vperm.xlane v23, v0  }
0x83: {  	v24 =	vperm.xlane v13, v1;
	v25 =	vperm.xlane v14, v1;
	v6 =	vadd.f32 v17, v6  }
0x84: {  	v17 =	vperm.xlane v18, v1;
	v19 =	vadd.f32 v21, v19;
	v20 =	vadd.f32 v20, v23  }
0x85: {  	v13 =	vadd.f32 v24, v13;
	v14 =	vadd.f32 v25, v14;
	v21 =	vperm.xlane v6, v1  }
0x86: {  	v17 =	vadd.f32 v17, v18;
	v23 =	vperm.xlane v19, v1;
	v18 =	vperm.xlane v20, v1  }
0x87: {  	v24 =	vperm.xlane v13, v2;
	v25 =	vperm.xlane v14, v2;
	v6 =	vadd.f32 v21, v6  }
0x88: {  	v21 =	vperm.xlane v17, v2;
	v19 =	vadd.f32 v23, v19;
	v18 =	vadd.f32 v18, v20  }
0x89: {  	v13 =	vadd.f32 v24, v13;
	v14 =	vadd.f32 v25, v14;
	v20 =	vperm.xlane v6, v2  }
0x8a: {  	v17 =	vadd.f32 v21, v17;
	v23 =	vperm.xlane v19, v2;
	v21 =	vperm.xlane v18, v2  }
0x8b: {  	v24 =	vperm.xlane v13, v3;
	v25 =	vperm.xlane v14, v3;
	v6 =	vadd.f32 v20, v6  }
0x8c: {  	v20 =	vperm.xlane v17, v3;
	v19 =	vadd.f32 v23, v19;
	v18 =	vadd.f32 v21, v18  }
0x8d: {  	v13 =	vadd.f32 v24, v13;
	v14 =	vadd.f32 v25, v14;
	v21 =	vperm.xlane v6, v3  }
0x8e: {  	v16 =	vadd.f32 v22, v16;
	v17 =	vadd.f32 v20, v17;
	v20 =	vperm.xlane v18, v3  }
0x8f: {  	v13 =	vsel vm0, v13, v14;
	v6 =	vadd.f32 v21, v6;
	v14 =	vperm.xlane v19, v3  }
0x90: {  	v13 =	vsel vm1, v13, v17;
	v17 =	vadd.f32 v20, v18;
	v18 =	vperm.xlane v16, v3  }
0x91: {  	v6 =	vsel vm2, v13, v6;
	v13 =	vadd.f32 v14, v19;
	v14 =	vperm.xlane v15, v3  }
0x92: {  	v6 =	vsel vm3, v6, v17;
	v16 =	vadd.f32 v18, v16;
	v17 =	vperm.xlane v11, v3  }
0x93: {  	v6 =	vsel vm4, v6, v13;
	v13 =	vadd.f32 v14, v15;
	v14 =	vperm.xlane v9, v3  }
0x94: {  	v15 =	vperm.xlane v7, v3;
	v6 =	vsel vm5, v6, v16;
	v11 =	vadd.f32 v17, v11  }
0x95: {  	v6 =	vsel vm6, v6, v13;
	v9 =	vadd.f32 v14, v9;
	v13 =	vperm.xlane v12, v3  }
0x96: {  	v7 =	vadd.f32 v15, v7;
	v6 =	vsel vm7, v6, v11;
	v11 =	vperm.xlane v10, v3  }
0x97: {  	v6 =	vsel vm8, v6, v9;
	v9 =	vadd.f32 v13, v12;
	v12 =	vperm.xlane v8, v3  }
0x98: {  	v6 =	vsel vm9, v6, v7;
	v7 =	vadd.f32 v11, v10;
	v10 =	vperm.xlane v5, v3  }
0x99: {  	v6 =	vsel vm10, v6, v9;
	v8 =	vadd.f32 v12, v8;
	v9 =	vperm.xlane v4, v3  }
0x9a: {  	v6 =	vsel vm11, v6, v7;
	v5 =	vadd.f32 v10, v5  }
0x9b: {  	v6 =	vsel vm12, v6, v8;
	v4 =	vadd.f32 v9, v4  }
0x9c: {  	v5 =	vsel vm13, v6, v5  }
0x9d: {  	v4 =	vsel vm14, v5, v4  }
0x9e: {  	s22 =	simm.s32 $0x100;
	[tilespmem:s2+$0x0] =	vst v4  }
0x9f: {  	v4 =	vld [tilespmem:s22+$0x4F0]  }
0xa0: {  	v5 =	vld [tilespmem:s22+$0x24F0]  }
0xa1: {  	v6 =	vld [tilespmem:s22+$0x4E0]  }
0xa2: {  	v7 =	vld [tilespmem:s22+$0x24E0]  }
0xa3: {  	v8 =	vld [tilespmem:s22+$0x4D0]  }
0xa4: {  	v9 =	vld [tilespmem:s22+$0x24D0]  }
0xa5: {  	v10 =	vld [tilespmem:s22+$0x4C0]  }
0xa6: {  	v11 =	vld [tilespmem:s22+$0x24C0]  }
0xa7: {  	v12 =	vld [tilespmem:s22+$0x4B0]  }
0xa8: {  	v13 =	vld [tilespmem:s22+$0x4A0]  }
0xa9: {  	v14 =	vld [tilespmem:s22+$0x490]  }
0xaa: {  	v16 =	vld [tilespmem:s22+$0x2490]  }
0xab: {  	v18 =	vld [tilespmem:s22+$0x470]  }
0xac: {  	v20 =	vld [tilespmem:s22+$0x2470]  }
0xad: {  	v4 =	vmul.f32 v5, v4;
	v5 =	vld [tilespmem:s22+$0x24B0];
	v6 =	vmul.f32 v7, v6  }
0xae: {  	v7 =	vmul.f32 v9, v8;
	v9 =	vld [tilespmem:s22+$0x24A0];
	v10 =	vmul.f32 v11, v10  }
0xaf: {  	v17 =	vld [tilespmem:s22+$0x480];
	v14 =	vmul.f32 v16, v14;
	v8 =	vperm.xlane v4, v0  }
0xb0: {  	v21 =	vld [tilespmem:s22+$0x460];
	v11 =	vperm.xlane v6, v0;
	v15 =	vperm.xlane v7, v0  }
0xb1: {  	v22 =	vld [tilespmem:s22+$0x2460];
	v18 =	vmul.f32 v20, v18;
	v20 =	vperm.xlane v14, v0;
	v4 =	vadd.f32 v8, v4  }
0xb2: {  	v8 =	vperm.xlane v10, v0;
	v6 =	vadd.f32 v11, v6;
	v7 =	vadd.f32 v15, v7;
	v15 =	vld [tilespmem:s22+$0x2480]  }
0xb3: {  	v23 =	vmul.f32 v5, v12;
	v24 =	vmul.f32 v9, v13  }
0xb4: {  	v11 =	vperm.xlane v4, v1;
	v8 =	vadd.f32 v8, v10;
	v10 =	vperm.xlane v6, v1  }
0xb5: {  	v19 =	vperm.xlane v7, v1;
	v13 =	vperm.xlane v23, v0  }
0xb6: {  	v4 =	vadd.f32 v11, v4;
	v11 =	vperm.xlane v8, v1;
	v6 =	vadd.f32 v10, v6  }
0xb7: {  	v19 =	vadd.f32 v19, v7;
	v15 =	vmul.f32 v15, v17;
	v17 =	vmul.f32 v22, v21  }
0xb8: {  	v9 =	vld [tilespmem:s22+$0x450];
	v21 =	vperm.xlane v18, v0;
	v27 =	vadd.f32 v13, v23;
	v10 =	vperm.xlane v4, v2  }
0xb9: {  	v13 =	vld [tilespmem:s22+$0x420];
	v7 =	vadd.f32 v11, v8;
	v5 =	vperm.xlane v6, v2;
	v12 =	vperm.xlane v19, v2  }
0xba: {  	v16 =	vperm.xlane v24, v0;
	v11 =	vld [tilespmem:s22+$0x2450];
	v21 =	vadd.f32 v21, v18;
	v4 =	vadd.f32 v10, v4  }
0xbb: {  	v22 =	vperm.xlane v15, v0;
	v5 =	vadd.f32 v5, v6;
	v10 =	vld [tilespmem:s22+$0x430];
	v6 =	vadd.f32 v12, v19  }
0xbc: {  	v23 =	vperm.xlane v17, v0;
	v12 =	vld [tilespmem:s22+$0x2430];
	v19 =	vadd.f32 v20, v14;
	v20 =	vadd.f32 v16, v24  }
0xbd: {  	v63 =	vperm.xlane v27, v1;
	v8 =	vperm.xlane v7, v2;
	v14 =	vld [tilespmem:s22+$0x2400];
	v22 =	vadd.f32 v22, v15  }
0xbe: {  	v16 =	vld [tilespmem:s22+$0x410];
	v18 =	vadd.f32 v23, v17;
	v23 =	vperm.xlane v19, v1;
	v24 =	vperm.xlane v20, v1  }
0xbf: {  	s18 =	simm.s32 $0x4400;
	s20 =	simm.s32 $0x800;
	v15 =	vld [tilespmem:s22+$0x400];
	v25 =	vperm.xlane v21, v1;
	v17 =	vadd.f32 v63, v27;
	v26 =	vperm.xlane v22, v1  }
.LBB2_2:
0xc0: {  	p0 =	sne.s32 s20, $0x7C00;
	v27 =	vld [tilespmem:s22+$0x2410];
	v28 =	vperm.xlane v18, v1;
	v19 =	vadd.f32 v23, v19;
	v20 =	vadd.f32 v24, v20  }
0xc1: {  	v23 =	vld [tilespmem:s22+$0x2420];
	v21 =	vadd.f32 v25, v21;
	v22 =	vadd.f32 v26, v22;
	v24 =	vperm.xlane v17, v2  }
0xc2: {  	v25 =	vld [tilespmem:s22+$0x440];
	v18 =	vadd.f32 v28, v18;
	v26 =	vperm.xlane v19, v2;
	v28 =	vperm.xlane v20, v2  }
0xc3: {  	v7 =	vadd.f32 v8, v7;
	v29 =	vld [tilespmem:s22+$0x2440];
	v30 =	vperm.xlane v21, v2;
	v31 =	vperm.xlane v22, v2  }
0xc4: {  	v8 =	vmul.f32 v11, v9;
	v11 =	vadd.f32 v24, v17;
	v9 =	vperm.xlane v18, v2  }
0xc5: {  	v14 =	vmul.f32 v14, v15;
	v15 =	vmul.f32 v27, v16;
	v16 =	vadd.f32 v28, v20  }
0xc6: {  	v10 =	vmul.f32 v12, v10;
	v12 =	vadd.f32 v26, v19;
	v13 =	vmul.f32 v23, v13  }
0xc7: {  	v17 =	vperm.xlane v14, v0;
	v20 =	vadd.f32 v31, v22;
	v19 =	vperm.xlane v15, v0  }
0xc8: {  	v21 =	vadd.f32 v30, v21;
	v22 =	vperm.xlane v13, v0;
	v23 =	vmul.f32 v29, v25  }
0xc9: {  	v14 =	vadd.f32 v17, v14;
	v17 =	vperm.xlane v10, v0;
	v15 =	vadd.f32 v19, v15  }
0xca: {  	v13 =	vadd.f32 v22, v13;
	v19 =	vperm.xlane v23, v0;
	v22 =	vperm.xlane v8, v0  }
0xcb: {  	v24 =	vperm.xlane v14, v1;
	v10 =	vadd.f32 v17, v10;
	v25 =	vperm.xlane v15, v1  }
0xcc: {  	v17 =	vperm.xlane v13, v1;
	v19 =	vadd.f32 v19, v23;
	v8 =	vadd.f32 v22, v8  }
0xcd: {  	v14 =	vadd.f32 v24, v14;
	v22 =	vperm.xlane v10, v1;
	v15 =	vadd.f32 v25, v15  }
0xce: {  	v13 =	vadd.f32 v17, v13;
	v17 =	vperm.xlane v19, v1;
	v23 =	vperm.xlane v8, v1  }
0xcf: {  	v24 =	vperm.xlane v14, v2;
	v10 =	vadd.f32 v22, v10;
	v25 =	vperm.xlane v15, v2  }
0xd0: {  	v22 =	vperm.xlane v13, v2;
	v17 =	vadd.f32 v17, v19;
	v8 =	vadd.f32 v23, v8  }
0xd1: {  	v14 =	vadd.f32 v24, v14;
	v19 =	vperm.xlane v10, v2;
	v15 =	vadd.f32 v25, v15  }
0xd2: {  	v13 =	vadd.f32 v22, v13;
	v22 =	vperm.xlane v17, v2;
	v23 =	vperm.xlane v8, v2  }
0xd3: {  	v24 =	vperm.xlane v14, v3;
	v10 =	vadd.f32 v19, v10;
	v25 =	vperm.xlane v15, v3  }
0xd4: {  	v19 =	vperm.xlane v13, v3;
	v17 =	vadd.f32 v22, v17;
	v8 =	vadd.f32 v23, v8  }
0xd5: {  	v14 =	vadd.f32 v24, v14;
	v22 =	vperm.xlane v10, v3;
	v15 =	vadd.f32 v25, v15  }
0xd6: {  	v9 =	vadd.f32 v9, v18;
	v13 =	vadd.f32 v19, v13;
	v19 =	vperm.xlane v17, v3  }
0xd7: {  	v10 =	vadd.f32 v22, v10;
	v14 =	vsel vm0, v14, v15;
	v15 =	vperm.xlane v8, v3  }
0xd8: {  	v13 =	vsel vm1, v14, v13;
	v14 =	vadd.f32 v19, v17;
	v17 =	vperm.xlane v9, v3  }
0xd9: {  	v10 =	vsel vm2, v13, v10;
	v8 =	vadd.f32 v15, v8;
	v13 =	vperm.xlane v21, v3  }
0xda: {  	v10 =	vsel vm3, v10, v14;
	v9 =	vadd.f32 v17, v9;
	v14 =	vperm.xlane v20, v3  }
0xdb: {  	v8 =	vsel vm4, v10, v8;
	v10 =	vadd.f32 v13, v21;
	v13 =	vperm.xlane v12, v3  }
0xdc: {  	v8 =	vsel vm5, v8, v9;
	v9 =	vadd.f32 v14, v20;
	v14 =	vperm.xlane v16, v3  }
0xdd: {  	v8 =	vsel vm6, v8, v10;
	v10 =	vadd.f32 v13, v12;
	v12 =	vperm.xlane v11, v3  }
0xde: {  	v13 =	vperm.xlane v7, v3;
	v8 =	vsel vm7, v8, v9;
	v9 =	vadd.f32 v14, v16  }
0xdf: {  	v8 =	vsel vm8, v8, v10;
	v10 =	vadd.f32 v12, v11;
	v11 =	vperm.xlane v6, v3  }
0xe0: {  	v7 =	vadd.f32 v13, v7;
	v8 =	vsel vm9, v8, v9;
	v9 =	vperm.xlane v5, v3  }
0xe1: {  	v8 =	vsel vm10, v8, v10;
	v6 =	vadd.f32 v11, v6;
	v10 =	vperm.xlane v4, v3  }
0xe2: {  	v7 =	vsel vm11, v8, v7;
	v5 =	vadd.f32 v9, v5  }
0xe3: {  	v6 =	vsel vm12, v7, v6;
	v4 =	vadd.f32 v10, v4  }
0xe4: {  	v5 =	vsel vm13, v6, v5  }
0xe5: {  	s18 =	sadd.s32 $0x10, s18;
	v4 =	vsel vm14, v5, v4  }
0xe6: {  	s22 =	sshra.s32 s20, $0x2;
	[tilespmem:s18+$0x0] =	vst v4  }
0xe7: {  	v4 =	vld [tilespmem:s22+$0x4F0]  }
0xe8: {  	v5 =	vld [tilespmem:s22+$0x24F0]  }
0xe9: {  	v6 =	vld [tilespmem:s22+$0x4E0]  }
0xea: {  	v7 =	vld [tilespmem:s22+$0x24E0]  }
0xeb: {  	v8 =	vld [tilespmem:s22+$0x4D0]  }
0xec: {  	v9 =	vld [tilespmem:s22+$0x24D0]  }
0xed: {  	v10 =	vld [tilespmem:s22+$0x4C0]  }
0xee: {  	v11 =	vld [tilespmem:s22+$0x24C0];
	_ =	sdelay $0x1  }
0xef: {  	v4 =	vmul.f32 v5, v4;
	v12 =	vld [tilespmem:s22+$0x4B0]  }
0xf0: {  	v6 =	vmul.f32 v7, v6;
	v5 =	vld [tilespmem:s22+$0x24B0]  }
0xf1: {  	v7 =	vmul.f32 v9, v8;
	v8 =	vperm.xlane v4, v0;
	v13 =	vld [tilespmem:s22+$0x4A0]  }
0xf2: {  	v9 =	vld [tilespmem:s22+$0x24A0];
	v10 =	vmul.f32 v11, v10;
	v11 =	vperm.xlane v6, v0  }
0xf3: {  	v15 =	vperm.xlane v7, v0;
	v4 =	vadd.f32 v8, v4;
	v14 =	vld [tilespmem:s22+$0x490]  }
0xf4: {  	v16 =	vld [tilespmem:s22+$0x2490];
	v8 =	vperm.xlane v10, v0;
	v6 =	vadd.f32 v11, v6  }
0xf5: {  	v7 =	vadd.f32 v15, v7;
	v11 =	vperm.xlane v4, v1;
	v17 =	vld [tilespmem:s22+$0x480]  }
0xf6: {  	v15 =	vld [tilespmem:s22+$0x2480];
	v8 =	vadd.f32 v8, v10;
	v10 =	vperm.xlane v6, v1  }
0xf7: {  	v19 =	vperm.xlane v7, v1;
	v4 =	vadd.f32 v11, v4;
	v18 =	vld [tilespmem:s22+$0x470]  }
0xf8: {  	v20 =	vld [tilespmem:s22+$0x2470];
	v11 =	vperm.xlane v8, v1;
	v6 =	vadd.f32 v10, v6  }
0xf9: {  	v19 =	vadd.f32 v19, v7;
	v10 =	vperm.xlane v4, v2;
	v21 =	vld [tilespmem:s22+$0x460]  }
0xfa: {  	v23 =	vmul.f32 v5, v12;
	v22 =	vld [tilespmem:s22+$0x2460];
	v7 =	vadd.f32 v11, v8;
	v5 =	vperm.xlane v6, v2  }
0xfb: {  	v24 =	vmul.f32 v9, v13;
	v12 =	vperm.xlane v19, v2  }
0xfc: {  	v13 =	vperm.xlane v23, v0;
	v8 =	vperm.xlane v7, v2  }
0xfd: {  	v14 =	vmul.f32 v16, v14;
	v16 =	vperm.xlane v24, v0;
	v4 =	vadd.f32 v10, v4;
	v9 =	vld [tilespmem:s22+$0x450]  }
0xfe: {  	v15 =	vmul.f32 v15, v17;
	v5 =	vadd.f32 v5, v6;
	v18 =	vmul.f32 v20, v18;
	v11 =	vld [tilespmem:s22+$0x2450]  }
0xff: {  	v6 =	vadd.f32 v12, v19;
	v20 =	vperm.xlane v14, v0;
	v10 =	vld [tilespmem:s22+$0x430];
	v17 =	vmul.f32 v22, v21  }
.Ltmp0:
0x100: {  	v27 =	vadd.f32 v13, v23;
	v21 =	vperm.xlane v18, v0;
	v22 =	vperm.xlane v15, v0;
	v12 =	vld [tilespmem:s22+$0x2430];
	(pc) =	sbr.rel @p0 .LBB2_2-.Ltmp0, $4  }
0x101: {  	v19 =	vadd.f32 v20, v14;
	v20 =	vadd.f32 v16, v24;
	v13 =	vld [tilespmem:s22+$0x420];
	v23 =	vperm.xlane v17, v0  }
0x102: {  	v28 =	vperm.xlane v27, v1;
	v21 =	vadd.f32 v21, v18;
	v22 =	vadd.f32 v22, v15;
	v14 =	vld [tilespmem:s22+$0x2400]  }
0x103: {  	v24 =	vperm.xlane v20, v1;
	v15 =	vld [tilespmem:s22+$0x400];
	v18 =	vadd.f32 v23, v17;
	v23 =	vperm.xlane v19, v1  }
0x104: {  	s20 =	sadd.s32 $0x400, s20;
	v25 =	vperm.xlane v21, v1;
	v26 =	vperm.xlane v22, v1;
	v17 =	vadd.f32 v28, v27;
	v16 =	vld [tilespmem:s22+$0x410]  }
0x105: {  	v28 =	vperm.xlane v18, v1  }
0x106: {  	v27 =	vld [tilespmem:s22+$0x2410];
	v19 =	vadd.f32 v23, v19;
	v20 =	vadd.f32 v24, v20;
	v56 =	vmul.f32 v11, v9  }
0x107: {  	v51 =	vld [tilespmem:s22+$0x2420];
	v10 =	vmul.f32 v12, v10;
	v21 =	vadd.f32 v25, v21;
	v52 =	vperm.xlane v17, v2  }
0x108: {  	v53 =	vld [tilespmem:s22+$0x440];
	v22 =	vadd.f32 v26, v22;
	v54 =	vperm.xlane v19, v2;
	v55 =	vperm.xlane v20, v2  }
0x109: {  	v29 =	vld [tilespmem:s22+$0x2440];
	v32 =	vperm.xlane v10, v0;
	v34 =	vperm.xlane v56, v0  }
0x10a: {  	v7 =	vadd.f32 v8, v7;
	v30 =	vperm.xlane v21, v2;
	v31 =	vperm.xlane v22, v2  }
0x10b: {  	v18 =	vadd.f32 v28, v18;
	v14 =	vmul.f32 v14, v15;
	v58 =	vmul.f32 v27, v16  }
0x10c: {  	v11 =	vadd.f32 v52, v17;
	v59 =	vadd.f32 v55, v20;
	v13 =	vmul.f32 v51, v13  }
0x10d: {  	v60 =	vadd.f32 v54, v19;
	v61 =	vperm.xlane v14, v0;
	v62 =	vperm.xlane v58, v0  }
0x10e: {  	v63 =	vadd.f32 v31, v22;
	v31 =	vmul.f32 v29, v53;
	v28 =	vperm.xlane v13, v0  }
0x10f: {  	v57 =	vperm.xlane v18, v2;
	v14 =	vadd.f32 v61, v14;
	v15 =	vadd.f32 v62, v58  }
0x110: {  	v10 =	vadd.f32 v32, v10;
	v33 =	vperm.xlane v31, v0;
	v13 =	vadd.f32 v28, v13  }
0x111: {  	v8 =	vadd.f32 v34, v56;
	v35 =	vperm.xlane v14, v1;
	v36 =	vperm.xlane v15, v1  }
0x112: {  	v21 =	vadd.f32 v30, v21;
	v19 =	vadd.f32 v33, v31;
	v37 =	vperm.xlane v13, v1  }
0x113: {  	v38 =	vperm.xlane v10, v1;
	v14 =	vadd.f32 v35, v14;
	v15 =	vadd.f32 v36, v15  }
0x114: {  	v40 =	vperm.xlane v8, v1;
	v39 =	vperm.xlane v19, v1;
	v13 =	vadd.f32 v37, v13  }
0x115: {  	v10 =	vadd.f32 v38, v10;
	v24 =	vperm.xlane v14, v2;
	v25 =	vperm.xlane v15, v2  }
0x116: {  	v8 =	vadd.f32 v40, v8;
	v17 =	vadd.f32 v39, v19;
	v41 =	vperm.xlane v13, v2  }
0x117: {  	v42 =	vperm.xlane v10, v2;
	v14 =	vadd.f32 v24, v14;
	v15 =	vadd.f32 v25, v15  }
0x118: {  	v23 =	vperm.xlane v8, v2;
	v43 =	vperm.xlane v17, v2;
	v13 =	vadd.f32 v41, v13  }
0x119: {  	v10 =	vadd.f32 v42, v10;
	v24 =	vperm.xlane v14, v3;
	v25 =	vperm.xlane v15, v3  }
0x11a: {  	v8 =	vadd.f32 v23, v8;
	v17 =	vadd.f32 v43, v17;
	v44 =	vperm.xlane v13, v3  }
0x11b: {  	v45 =	vperm.xlane v10, v3;
	v14 =	vadd.f32 v24, v14;
	v15 =	vadd.f32 v25, v15  }
0x11c: {  	v9 =	vadd.f32 v57, v18;
	v46 =	vperm.xlane v17, v3;
	v13 =	vadd.f32 v44, v13  }
0x11d: {  	v47 =	vperm.xlane v8, v3;
	v10 =	vadd.f32 v45, v10;
	v14 =	vsel vm0, v14, v15  }
0x11e: {  	v49 =	vperm.xlane v9, v3;
	v48 =	vadd.f32 v46, v17;
	v13 =	vsel vm1, v14, v13  }
0x11f: {  	v50 =	vperm.xlane v21, v3;
	v8 =	vadd.f32 v47, v8;
	v10 =	vsel vm2, v13, v10  }
0x120: {  	v51 =	vperm.xlane v63, v3;
	v9 =	vadd.f32 v49, v9;
	v10 =	vsel vm3, v10, v48  }
0x121: {  	v53 =	vperm.xlane v60, v3;
	v52 =	vadd.f32 v50, v21;
	v8 =	vsel vm4, v10, v8  }
0x122: {  	v55 =	vperm.xlane v59, v3;
	v54 =	vadd.f32 v51, v63;
	v8 =	vsel vm5, v8, v9  }
0x123: {  	v57 =	vperm.xlane v11, v3;
	v56 =	vadd.f32 v53, v60;
	v8 =	vsel vm6, v8, v52  }
0x124: {  	v58 =	vadd.f32 v55, v59;
	v59 =	vperm.xlane v7, v3;
	v8 =	vsel vm7, v8, v54  }
0x125: {  	v61 =	vperm.xlane v6, v3;
	v60 =	vadd.f32 v57, v11;
	v8 =	vsel vm8, v8, v56  }
0x126: {  	v62 =	vperm.xlane v5, v3;
	v7 =	vadd.f32 v59, v7;
	v8 =	vsel vm9, v8, v58  }
0x127: {  	v6 =	vadd.f32 v61, v6;
	v63 =	vperm.xlane v4, v3;
	v8 =	vsel vm10, v8, v60  }
0x128: {  	v5 =	vadd.f32 v62, v5;
	v7 =	vsel vm11, v8, v7  }
0x129: {  	v4 =	vadd.f32 v63, v4;
	v6 =	vsel vm12, v7, v6  }
0x12a: {  	s17 =	sadd.s32 $0x1, s17;
	v5 =	vsel vm13, v6, v5  }
0x12b: {  	s18 =	sadd.s32 $0x10, s18;
	p0 =	sne.s32 s17, s14;
	v4 =	vsel vm14, v5, v4  }
.Ltmp1:
0x12c: {  	[tilespmem:s18+$0x0] =	vst v4;
	(pc) =	sbr.rel @p0 .LBB2_1-.Ltmp1, $4  }
0x12d: {  	[hbm4b:s13+s1] =	stream.linear.scatter [tilespmem:s2], [sflag:$0x2], $0x200, $0x38;
	[tilespmem:$0x4600] =	vst v63  }
0x12e: {  	_ =	swait.ge [sflag:s15], $0x200  }
0x12f: {  	[sflag:s15] =	ssyncset.done $0x0  }
0x130: {  	[sflag:s15] =	ssyncadd.s32 $0xFFFFFE00  }
0x131: {  	_ =	sfence.sel $0x180000  }
0x132: {  	[bflag:$0x0] =	sbarrier.arrive $0xFFFF  }
0x133: {  	_ =	strace $0x90000047  }
0x134: {  	s0 =	stileid.u32;
	[bflag:$0x2] =	sbarrier.arrive $0xFFFF  }
0x135: {  	p0 =	sne.s32 s0, $0x0;
	s0 =	rddreg [dreg:$0x4]  }
0x136: {  	s0 =	sadd.s32 @!p0 $0x100000, s0  }
0x137: {  	[sflag:s0] =	ssyncadd.tile.s32 @!p0 $0x1;
	_ =	shalt  }
.Lfunc_end2:
_tile_overlayer_lowered:
.L_overlay_start_2:
0x138: {  	(tag) =	ssettag $0x2  }
0x139: {  	s0 =	rddreg [dreg:$0x0];
	s2 =	stileid.u32  }
0x13a: {  	s1 =	rddreg [dreg:$0x1];
	p0 =	sne.s32 s2, $0x0  }
0x13b: {  	s3 =	rddreg [dreg:$0x2];
	[bflag:$0x3] =	sbarrier.arrive $0xFFFF;
	s2 =	simm.s32 @!p0 $0x1C02  }
0x13c: {  	[timem:s3], [sflag:s2] =	dma.local @!p0 [hbm:s0], s1  }
0x13d: {  	s0 =	simm.s32 @!p0 $0x2  }
0x13e: {  	_ =	swait.ge @!p0 [sflag:s0], s1  }
0x13f: {  	s1 =	ssub.s32 @!p0 $0x0, s1;
	[sflag:s0] =	ssyncset.done @!p0 $0x0  }
0x140: {  	[sflag:s0] =	ssyncadd.s32 @!p0 s1  }
0x141: {  	[bflag:$0x3] =	sbarrier.arrive $0xFFFF  }
0x142: {  	_ =	shalt  }

</sc_bundles>
